<compile_context>
chip_gen: v7x
topology: tpu7x:2x2x1
jax: 0.10.2.dev20260603
libtpu: 0.0.44.dev20260713+nightly
codegen_flags: <defaults>
</compile_context>

<pallas_src>
import functools

import jax
import jax.numpy as jnp
from jax import lax
from jax.experimental import pallas as pl
from jax.experimental.pallas import tpu as pltpu
from jax.experimental.pallas import tpu_sc as plsc

_NUM_CORES = 2
_NUM_SUBCORES = 16
_NUM_WORKERS = _NUM_CORES * _NUM_SUBCORES

_BATCH = 16384
_D_MODEL = 768
_ROWS_PER_WORKER = _BATCH // _NUM_WORKERS
_BUF_ROWS = 56
_CHUNKS = (56,) * 9 + (8,)
_OFFS = tuple(sum(_CHUNKS[:i]) for i in range(len(_CHUNKS)))
_NBUF = 3


@functools.partial(
    pl.kernel,
    out_type=jax.ShapeDtypeStruct((_BATCH, _D_MODEL), jnp.float32),
    mesh=plsc.VectorSubcoreMesh(core_axis_name="c", subcore_axis_name="s"),
    scratch_types=[
        pltpu.VMEM((_ROWS_PER_WORKER,), jnp.int32),
        pltpu.VMEM((_BUF_ROWS, _D_MODEL), jnp.float32),
        pltpu.VMEM((_BUF_ROWS, _D_MODEL), jnp.float32),
        pltpu.VMEM((_BUF_ROWS, _D_MODEL), jnp.float32),
        pltpu.SemaphoreType.DMA,
        pltpu.SemaphoreType.DMA,
        pltpu.SemaphoreType.DMA,
        pltpu.SemaphoreType.DMA,
        pltpu.SemaphoreType.DMA,
        pltpu.SemaphoreType.DMA,
    ],
)
def _sc_gather(idx_hbm, table_hbm, out_hbm, idx_v, rows0, rows1, rows2,
               g0, g1, g2, o0, o1, o2):
    wid = lax.axis_index("s") * _NUM_CORES + lax.axis_index("c")
    base = wid * _ROWS_PER_WORKER
    head = _OFFS[2]
    pltpu.sync_copy(idx_hbm.at[pl.ds(base, head)], idx_v.at[pl.ds(0, head)])

    bufs = (rows0, rows1, rows2)
    gsems = (g0, g1, g2)
    osems = (o0, o1, o2)
    n = len(_CHUNKS)

    def gather(k, buf, sem):
        c = _CHUNKS[k]
        return pltpu.async_copy(
            table_hbm.at[idx_v.at[pl.ds(_OFFS[k], c)]],
            buf.at[pl.ds(0, c)], sem)

    def put(k, buf, sem):
        c = _CHUNKS[k]
        return pltpu.async_copy(
            buf.at[pl.ds(0, c)], out_hbm.at[pl.ds(base + _OFFS[k], c)], sem)

    g_descs = [gather(0, bufs[0], gsems[0]), gather(1, bufs[1], gsems[1]),
               None]
    pltpu.sync_copy(idx_hbm.at[pl.ds(base + head, _ROWS_PER_WORKER - head)],
                    idx_v.at[pl.ds(head, _ROWS_PER_WORKER - head)])
    out_descs = [None, None, None]
    for i in range(n):
        b = i % _NBUF
        pf = i + _NBUF - 1
        if pf < n:
            nb = pf % _NBUF
            if out_descs[nb] is not None:
                out_descs[nb].wait()
            g_descs[nb] = gather(pf, bufs[nb], gsems[nb])
        g_descs[b].wait()
        out_descs[b] = put(i, bufs[b], osems[b])
    for j in range(_NBUF):
        if out_descs[(n - 1 - j) % _NBUF] is not None:
            out_descs[(n - 1 - j) % _NBUF].wait()
            out_descs[(n - 1 - j) % _NBUF] = None


def kernel(x, y, W_lookup):
    del x
    return _sc_gather(y, W_lookup)

# --- scband reference (transcript-rebuilt; emitter-appended) ---
"""Pipeline reference for scband-base-sae-37211596653073 (READ-ONLY COPY).

The authoritative reference and input builder live on the scoring server;
editing this copy changes nothing except your own understanding.
"""

import jax, jax.numpy as jnp
import numpy as np

BATCH = 16384
D_MODEL = 768
VOCAB = 100000
LOOKUP_SCALE = 1.0

def setup_inputs(seed: int = 0) -> dict:
    key = jax.random.key(seed)
    k1, k2, k3 = jax.random.split(key, 3)
    x = jax.random.normal(k1, (BATCH, D_MODEL), dtype=jnp.float32)
    y = jax.random.randint(k2, (BATCH,), 0, VOCAB, dtype=jnp.int64 if jax.config.jax_enable_x64 else jnp.int32)
    # W_lookup = lookup_scale * unigram lookup table (pretrained embedding),
    # materialized here as a random table of shape [vocab, d_model].
    W_lookup = LOOKUP_SCALE * (jax.random.normal(k3, (VOCAB, D_MODEL), dtype=jnp.float32) * 0.02)
    return {"x": x, "y": y, "W_lookup": W_lookup}

def reference(x, y, W_lookup):
    # BaseSAE.forward:
    #   x_hid, *_ = self.encode(x)   -> encode returns (zeros_like(x),)
    #   decode(x_hid)                -> identity
    #   lookup(decoded, y)           -> decoded + W_lookup[y]  (lookup is not None)
    x_hid = jnp.zeros_like(x)
    x_hat = x_hid  # decode is identity in the base class
    out = x_hat + jnp.take(W_lookup, y, axis=0)  # nn.Embedding gather
    return out

if __name__ == "__main__":
    import jax
    _d = setup_inputs()
    print(jax.jit(kernel)(*tuple(_d.values())))

</pallas_src>

<mosaic_0001>
#map = affine_map<(d0, d1) -> (0)>
#map1 = affine_map<(d0, d1) -> (0, 0)>
module attributes {stable_mosaic.version = 14 : i64} {
  func.func @_sc_gather(%arg0: i32, %arg1: i32, %arg2: memref<16384xi32, #tpu.memory_space<hbm>>, %arg3: memref<100000x768xf32, #tpu.memory_space<hbm>>, %arg4: memref<16384x768xf32, #tpu.memory_space<hbm>>, %arg5: memref<512xi32, #tpu.memory_space<vmem>>, %arg6: memref<56x768xf32, #tpu.memory_space<vmem>>, %arg7: memref<56x768xf32, #tpu.memory_space<vmem>>, %arg8: memref<56x768xf32, #tpu.memory_space<vmem>>, %arg9: memref<!tpu.dma_semaphore, #tpu.memory_space<semaphore_mem>>, %arg10: memref<!tpu.dma_semaphore, #tpu.memory_space<semaphore_mem>>, %arg11: memref<!tpu.dma_semaphore, #tpu.memory_space<semaphore_mem>>, %arg12: memref<!tpu.dma_semaphore, #tpu.memory_space<semaphore_mem>>, %arg13: memref<!tpu.dma_semaphore, #tpu.memory_space<semaphore_mem>>, %arg14: memref<!tpu.dma_semaphore, #tpu.memory_space<semaphore_mem>>) attributes {dimension_semantics = [#tpu.dimension_semantics<core_parallel>, #tpu.dimension_semantics<subcore_parallel>], iteration_bounds = array<i64: 2, 16>, scalar_prefetch = 0 : i64, scratch_operands = 10 : i64, tpu.core_type = #tpu.core_type<sc_vector_subcore>, window_params = [{transform_indices = #map}, {transform_indices = #map1}, {transform_indices = #map1}]} {
    %mul3A = arith.constant 2 : i32
    %mul3A_0 = arith.muli %arg1, %mul3A : i32
    %add3A = arith.addi %mul3A_0, %arg0 : i32
    %mul3A_1 = arith.constant 512 : i32
    %mul3A_2 = arith.muli %add3A, %mul3A_1 : i32
    "tpu.region"() ({
      %run_scoped3A = tpu.sem_alloc : memref<!tpu.dma_semaphore, #tpu.memory_space<semaphore_mem>>
      %dma_start3A_383 = arith.constant 0 : i32
      %dma_start3A_384 = tpu.memref_slice %arg5[%dma_start3A_383] : memref<512xi32, #tpu.memory_space<vmem>> -> memref<112xi32, #tpu.memory_space<vmem>>
      %dma_start3A_385 = tpu.memref_slice %arg2[%mul3A_2] : memref<16384xi32, #tpu.memory_space<hbm>> -> memref<112xi32, #tpu.memory_space<hbm>>
      %dma_start3A_386 = arith.constant 0 : i32
      %dma_start3A_387 = tpu.memref_slice %arg5[%dma_start3A_386] : memref<512xi32, #tpu.memory_space<vmem>> -> memref<112xi32, #tpu.memory_space<vmem>>
      %dma_start3A_388 = tpu.memref_slice %arg2[%mul3A_2] : memref<16384xi32, #tpu.memory_space<hbm>> -> memref<112xi32, #tpu.memory_space<hbm>>
      tpu.enqueue_dma source(%dma_start3A_388 : memref<112xi32, #tpu.memory_space<hbm>>) target(%dma_start3A_387 : memref<112xi32, #tpu.memory_space<vmem>>) target_semaphore(%run_scoped3A : memref<!tpu.dma_semaphore, #tpu.memory_space<semaphore_mem>>)
      %dma_wait3A_389 = arith.constant 0 : i32
      %dma_wait3A_390 = tpu.memref_slice %arg5[%dma_wait3A_389] : memref<512xi32, #tpu.memory_space<vmem>> -> memref<112xi32, #tpu.memory_space<vmem>>
      %dma_wait3A_391 = tpu.memref_slice %arg2[%mul3A_2] : memref<16384xi32, #tpu.memory_space<hbm>> -> memref<112xi32, #tpu.memory_space<hbm>>
      %dma_wait3A_392 = arith.constant 0 : i32
      %dma_wait3A_393 = tpu.memref_slice %arg5[%dma_wait3A_392] : memref<512xi32, #tpu.memory_space<vmem>> -> memref<112xi32, #tpu.memory_space<vmem>>
      %dma_wait3A_394 = tpu.memref_slice %arg2[%mul3A_2] : memref<16384xi32, #tpu.memory_space<hbm>> -> memref<112xi32, #tpu.memory_space<hbm>>
      tpu.wait_dma2 semaphore(%run_scoped3A : memref<!tpu.dma_semaphore, #tpu.memory_space<semaphore_mem>>) src(%dma_wait3A_394 : memref<112xi32, #tpu.memory_space<hbm>>) dst(%dma_wait3A_393 : memref<112xi32, #tpu.memory_space<vmem>>)
      tpu.yield
    }) : () -> ()
    %dma_start3A = arith.constant 0 : i32
    %dma_start3A_3 = arith.constant 0 : i32
    %dma_start3A_4 = tpu.memref_slice %arg6[%dma_start3A, %dma_start3A_3] : memref<56x768xf32, #tpu.memory_space<vmem>> -> memref<56x768xf32, #tpu.memory_space<vmem>>
    %dma_start3A_5 = arith.constant 0 : i32
    %dma_start3A_6 = tpu.memref_slice %arg5[%dma_start3A_5] : memref<512xi32, #tpu.memory_space<vmem>> -> memref<56xi32, #tpu.memory_space<vmem>>
    %dma_start3A_7 = arith.constant 0 : i32
    %dma_start3A_8 = arith.constant 0 : i32
    %dma_start3A_9 = tpu.memref_slice %arg3[%dma_start3A_7, %dma_start3A_8] : memref<100000x768xf32, #tpu.memory_space<hbm>> -> memref<100000x768xf32, #tpu.memory_space<hbm>>
    tpu.enqueue_indirect_dma source(%dma_start3A_9 : memref<100000x768xf32, #tpu.memory_space<hbm>>) target(%dma_start3A_4 : memref<56x768xf32, #tpu.memory_space<vmem>>) offsets(%dma_start3A_6 : memref<56xi32, #tpu.memory_space<vmem>>) semaphore(%arg9 : memref<!tpu.dma_semaphore, #tpu.memory_space<semaphore_mem>>)
    %dma_start3A_10 = arith.constant 0 : i32
    %dma_start3A_11 = arith.constant 0 : i32
    %dma_start3A_12 = tpu.memref_slice %arg7[%dma_start3A_10, %dma_start3A_11] : memref<56x768xf32, #tpu.memory_space<vmem>> -> memref<56x768xf32, #tpu.memory_space<vmem>>
    %dma_start3A_13 = arith.constant 56 : i32
    %dma_start3A_14 = tpu.memref_slice %arg5[%dma_start3A_13] : memref<512xi32, #tpu.memory_space<vmem>> -> memref<56xi32, #tpu.memory_space<vmem>>
    %dma_start3A_15 = arith.constant 0 : i32
    %dma_start3A_16 = arith.constant 0 : i32
    %dma_start3A_17 = tpu.memref_slice %arg3[%dma_start3A_15, %dma_start3A_16] : memref<100000x768xf32, #tpu.memory_space<hbm>> -> memref<100000x768xf32, #tpu.memory_space<hbm>>
    tpu.enqueue_indirect_dma source(%dma_start3A_17 : memref<100000x768xf32, #tpu.memory_space<hbm>>) target(%dma_start3A_12 : memref<56x768xf32, #tpu.memory_space<vmem>>) offsets(%dma_start3A_14 : memref<56xi32, #tpu.memory_space<vmem>>) semaphore(%arg10 : memref<!tpu.dma_semaphore, #tpu.memory_space<semaphore_mem>>)
    %add3A_18 = arith.constant 112 : i32
    %add3A_19 = arith.addi %mul3A_2, %add3A_18 : i32
    "tpu.region"() ({
      %run_scoped3A = tpu.sem_alloc : memref<!tpu.dma_semaphore, #tpu.memory_space<semaphore_mem>>
      %dma_start3A_383 = arith.constant 112 : i32
      %dma_start3A_384 = tpu.memref_slice %arg5[%dma_start3A_383] : memref<512xi32, #tpu.memory_space<vmem>> -> memref<400xi32, #tpu.memory_space<vmem>>
      %dma_start3A_385 = tpu.memref_slice %arg2[%add3A_19] : memref<16384xi32, #tpu.memory_space<hbm>> -> memref<400xi32, #tpu.memory_space<hbm>>
      %dma_start3A_386 = arith.constant 112 : i32
      %dma_start3A_387 = tpu.memref_slice %arg5[%dma_start3A_386] : memref<512xi32, #tpu.memory_space<vmem>> -> memref<400xi32, #tpu.memory_space<vmem>>
      %dma_start3A_388 = tpu.memref_slice %arg2[%add3A_19] : memref<16384xi32, #tpu.memory_space<hbm>> -> memref<400xi32, #tpu.memory_space<hbm>>
      tpu.enqueue_dma source(%dma_start3A_388 : memref<400xi32, #tpu.memory_space<hbm>>) target(%dma_start3A_387 : memref<400xi32, #tpu.memory_space<vmem>>) target_semaphore(%run_scoped3A : memref<!tpu.dma_semaphore, #tpu.memory_space<semaphore_mem>>)
      %dma_wait3A_389 = arith.constant 112 : i32
      %dma_wait3A_390 = tpu.memref_slice %arg5[%dma_wait3A_389] : memref<512xi32, #tpu.memory_space<vmem>> -> memref<400xi32, #tpu.memory_space<vmem>>
      %dma_wait3A_391 = tpu.memref_slice %arg2[%add3A_19] : memref<16384xi32, #tpu.memory_space<hbm>> -> memref<400xi32, #tpu.memory_space<hbm>>
      %dma_wait3A_392 = arith.constant 112 : i32
      %dma_wait3A_393 = tpu.memref_slice %arg5[%dma_wait3A_392] : memref<512xi32, #tpu.memory_space<vmem>> -> memref<400xi32, #tpu.memory_space<vmem>>
      %dma_wait3A_394 = tpu.memref_slice %arg2[%add3A_19] : memref<16384xi32, #tpu.memory_space<hbm>> -> memref<400xi32, #tpu.memory_space<hbm>>
      tpu.wait_dma2 semaphore(%run_scoped3A : memref<!tpu.dma_semaphore, #tpu.memory_space<semaphore_mem>>) src(%dma_wait3A_394 : memref<400xi32, #tpu.memory_space<hbm>>) dst(%dma_wait3A_393 : memref<400xi32, #tpu.memory_space<vmem>>)
      tpu.yield
    }) : () -> ()
    %dma_start3A_20 = arith.constant 0 : i32
    %dma_start3A_21 = arith.constant 0 : i32
    %dma_start3A_22 = tpu.memref_slice %arg8[%dma_start3A_20, %dma_start3A_21] : memref<56x768xf32, #tpu.memory_space<vmem>> -> memref<56x768xf32, #tpu.memory_space<vmem>>
    %dma_start3A_23 = arith.constant 112 : i32
    %dma_start3A_24 = tpu.memref_slice %arg5[%dma_start3A_23] : memref<512xi32, #tpu.memory_space<vmem>> -> memref<56xi32, #tpu.memory_space<vmem>>
    %dma_start3A_25 = arith.constant 0 : i32
    %dma_start3A_26 = arith.constant 0 : i32
    %dma_start3A_27 = tpu.memref_slice %arg3[%dma_start3A_25, %dma_start3A_26] : memref<100000x768xf32, #tpu.memory_space<hbm>> -> memref<100000x768xf32, #tpu.memory_space<hbm>>
    tpu.enqueue_indirect_dma source(%dma_start3A_27 : memref<100000x768xf32, #tpu.memory_space<hbm>>) target(%dma_start3A_22 : memref<56x768xf32, #tpu.memory_space<vmem>>) offsets(%dma_start3A_24 : memref<56xi32, #tpu.memory_space<vmem>>) semaphore(%arg11 : memref<!tpu.dma_semaphore, #tpu.memory_space<semaphore_mem>>)
    %dma_wait3A = arith.constant 0 : i32
    %dma_wait3A_28 = arith.constant 0 : i32
    %dma_wait3A_29 = tpu.memref_slice %arg6[%dma_wait3A, %dma_wait3A_28] : memref<56x768xf32, #tpu.memory_space<vmem>> -> memref<56x768xf32, #tpu.memory_space<vmem>>
    %dma_wait3A_30 = arith.constant 0 : i32
    %dma_wait3A_31 = tpu.memref_slice %arg5[%dma_wait3A_30] : memref<512xi32, #tpu.memory_space<vmem>> -> memref<56xi32, #tpu.memory_space<vmem>>
    %dma_wait3A_32 = arith.constant 0 : i32
    %dma_wait3A_33 = arith.constant 0 : i32
    %dma_wait3A_34 = tpu.memref_slice %arg3[%dma_wait3A_32, %dma_wait3A_33] : memref<100000x768xf32, #tpu.memory_space<hbm>> -> memref<100000x768xf32, #tpu.memory_space<hbm>>
    tpu.wait_indirect_dma semaphore(%arg9 : memref<!tpu.dma_semaphore, #tpu.memory_space<semaphore_mem>>) src(%dma_wait3A_34 : memref<100000x768xf32, #tpu.memory_space<hbm>>) dst(%dma_wait3A_29 : memref<56x768xf32, #tpu.memory_space<vmem>>)
    %add3A_35 = arith.constant 0 : i32
    %add3A_36 = arith.addi %mul3A_2, %add3A_35 : i32
    %dma_start3A_37 = arith.constant 0 : i32
    %dma_start3A_38 = arith.constant 0 : i32
    %dma_start3A_39 = tpu.memref_slice %arg6[%dma_start3A_37, %dma_start3A_38] : memref<56x768xf32, #tpu.memory_space<vmem>> -> memref<56x768xf32, #tpu.memory_space<vmem>>
    %dma_start3A_40 = arith.constant 0 : i32
    %dma_start3A_41 = tpu.memref_slice %arg4[%add3A_36, %dma_start3A_40] : memref<16384x768xf32, #tpu.memory_space<hbm>> -> memref<56x768xf32, #tpu.memory_space<hbm>>
    %dma_start3A_42 = arith.constant 0 : i32
    %dma_start3A_43 = tpu.memref_slice %arg4[%add3A_36, %dma_start3A_42] : memref<16384x768xf32, #tpu.memory_space<hbm>> -> memref<56x768xf32, #tpu.memory_space<hbm>>
    %dma_start3A_44 = arith.constant 0 : i32
    %dma_start3A_45 = arith.constant 0 : i32
    %dma_start3A_46 = tpu.memref_slice %arg6[%dma_start3A_44, %dma_start3A_45] : memref<56x768xf32, #tpu.memory_space<vmem>> -> memref<56x768xf32, #tpu.memory_space<vmem>>
    tpu.enqueue_dma source(%dma_start3A_46 : memref<56x768xf32, #tpu.memory_space<vmem>>) target(%dma_start3A_43 : memref<56x768xf32, #tpu.memory_space<hbm>>) target_semaphore(%arg12 : memref<!tpu.dma_semaphore, #tpu.memory_space<semaphore_mem>>)
    %dma_wait3A_47 = arith.constant 0 : i32
    %dma_wait3A_48 = arith.constant 0 : i32
    %dma_wait3A_49 = tpu.memref_slice %arg6[%dma_wait3A_47, %dma_wait3A_48] : memref<56x768xf32, #tpu.memory_space<vmem>> -> memref<56x768xf32, #tpu.memory_space<vmem>>
    %dma_wait3A_50 = arith.constant 0 : i32
    %dma_wait3A_51 = tpu.memref_slice %arg4[%add3A_36, %dma_wait3A_50] : memref<16384x768xf32, #tpu.memory_space<hbm>> -> memref<56x768xf32, #tpu.memory_space<hbm>>
    %dma_wait3A_52 = arith.constant 0 : i32
    %dma_wait3A_53 = tpu.memref_slice %arg4[%add3A_36, %dma_wait3A_52] : memref<16384x768xf32, #tpu.memory_space<hbm>> -> memref<56x768xf32, #tpu.memory_space<hbm>>
    %dma_wait3A_54 = arith.constant 0 : i32
    %dma_wait3A_55 = arith.constant 0 : i32
    %dma_wait3A_56 = tpu.memref_slice %arg6[%dma_wait3A_54, %dma_wait3A_55] : memref<56x768xf32, #tpu.memory_space<vmem>> -> memref<56x768xf32, #tpu.memory_space<vmem>>
    tpu.wait_dma2 semaphore(%arg12 : memref<!tpu.dma_semaphore, #tpu.memory_space<semaphore_mem>>) src(%dma_wait3A_56 : memref<56x768xf32, #tpu.memory_space<vmem>>) dst(%dma_wait3A_53 : memref<56x768xf32, #tpu.memory_space<hbm>>)
    %dma_start3A_57 = arith.constant 0 : i32
    %dma_start3A_58 = arith.constant 0 : i32
    %dma_start3A_59 = tpu.memref_slice %arg6[%dma_start3A_57, %dma_start3A_58] : memref<56x768xf32, #tpu.memory_space<vmem>> -> memref<56x768xf32, #tpu.memory_space<vmem>>
    %dma_start3A_60 = arith.constant 168 : i32
    %dma_start3A_61 = tpu.memref_slice %arg5[%dma_start3A_60] : memref<512xi32, #tpu.memory_space<vmem>> -> memref<56xi32, #tpu.memory_space<vmem>>
    %dma_start3A_62 = arith.constant 0 : i32
    %dma_start3A_63 = arith.constant 0 : i32
    %dma_start3A_64 = tpu.memref_slice %arg3[%dma_start3A_62, %dma_start3A_63] : memref<100000x768xf32, #tpu.memory_space<hbm>> -> memref<100000x768xf32, #tpu.memory_space<hbm>>
    tpu.enqueue_indirect_dma source(%dma_start3A_64 : memref<100000x768xf32, #tpu.memory_space<hbm>>) target(%dma_start3A_59 : memref<56x768xf32, #tpu.memory_space<vmem>>) offsets(%dma_start3A_61 : memref<56xi32, #tpu.memory_space<vmem>>) semaphore(%arg9 : memref<!tpu.dma_semaphore, #tpu.memory_space<semaphore_mem>>)
    %dma_wait3A_65 = arith.constant 0 : i32
    %dma_wait3A_66 = arith.constant 0 : i32
    %dma_wait3A_67 = tpu.memref_slice %arg7[%dma_wait3A_65, %dma_wait3A_66] : memref<56x768xf32, #tpu.memory_space<vmem>> -> memref<56x768xf32, #tpu.memory_space<vmem>>
    %dma_wait3A_68 = arith.constant 56 : i32
    %dma_wait3A_69 = tpu.memref_slice %arg5[%dma_wait3A_68] : memref<512xi32, #tpu.memory_space<vmem>> -> memref<56xi32, #tpu.memory_space<vmem>>
    %dma_wait3A_70 = arith.constant 0 : i32
    %dma_wait3A_71 = arith.constant 0 : i32
    %dma_wait3A_72 = tpu.memref_slice %arg3[%dma_wait3A_70, %dma_wait3A_71] : memref<100000x768xf32, #tpu.memory_space<hbm>> -> memref<100000x768xf32, #tpu.memory_space<hbm>>
    tpu.wait_indirect_dma semaphore(%arg10 : memref<!tpu.dma_semaphore, #tpu.memory_space<semaphore_mem>>) src(%dma_wait3A_72 : memref<100000x768xf32, #tpu.memory_space<hbm>>) dst(%dma_wait3A_67 : memref<56x768xf32, #tpu.memory_space<vmem>>)
    %add3A_73 = arith.constant 56 : i32
    %add3A_74 = arith.addi %mul3A_2, %add3A_73 : i32
    %dma_start3A_75 = arith.constant 0 : i32
    %dma_start3A_76 = arith.constant 0 : i32
    %dma_start3A_77 = tpu.memref_slice %arg7[%dma_start3A_75, %dma_start3A_76] : memref<56x768xf32, #tpu.memory_space<vmem>> -> memref<56x768xf32, #tpu.memory_space<vmem>>
    %dma_start3A_78 = arith.constant 0 : i32
    %dma_start3A_79 = tpu.memref_slice %arg4[%add3A_74, %dma_start3A_78] : memref<16384x768xf32, #tpu.memory_space<hbm>> -> memref<56x768xf32, #tpu.memory_space<hbm>>
    %dma_start3A_80 = arith.constant 0 : i32
    %dma_start3A_81 = tpu.memref_slice %arg4[%add3A_74, %dma_start3A_80] : memref<16384x768xf32, #tpu.memory_space<hbm>> -> memref<56x768xf32, #tpu.memory_space<hbm>>
    %dma_start3A_82 = arith.constant 0 : i32
    %dma_start3A_83 = arith.constant 0 : i32
    %dma_start3A_84 = tpu.memref_slice %arg7[%dma_start3A_82, %dma_start3A_83] : memref<56x768xf32, #tpu.memory_space<vmem>> -> memref<56x768xf32, #tpu.memory_space<vmem>>
    tpu.enqueue_dma source(%dma_start3A_84 : memref<56x768xf32, #tpu.memory_space<vmem>>) target(%dma_start3A_81 : memref<56x768xf32, #tpu.memory_space<hbm>>) target_semaphore(%arg13 : memref<!tpu.dma_semaphore, #tpu.memory_space<semaphore_mem>>)
    %dma_wait3A_85 = arith.constant 0 : i32
    %dma_wait3A_86 = arith.constant 0 : i32
    %dma_wait3A_87 = tpu.memref_slice %arg7[%dma_wait3A_85, %dma_wait3A_86] : memref<56x768xf32, #tpu.memory_space<vmem>> -> memref<56x768xf32, #tpu.memory_space<vmem>>
    %dma_wait3A_88 = arith.constant 0 : i32
    %dma_wait3A_89 = tpu.memref_slice %arg4[%add3A_74, %dma_wait3A_88] : memref<16384x768xf32, #tpu.memory_space<hbm>> -> memref<56x768xf32, #tpu.memory_space<hbm>>
    %dma_wait3A_90 = arith.constant 0 : i32
    %dma_wait3A_91 = tpu.memref_slice %arg4[%add3A_74, %dma_wait3A_90] : memref<16384x768xf32, #tpu.memory_space<hbm>> -> memref<56x768xf32, #tpu.memory_space<hbm>>
    %dma_wait3A_92 = arith.constant 0 : i32
    %dma_wait3A_93 = arith.constant 0 : i32
    %dma_wait3A_94 = tpu.memref_slice %arg7[%dma_wait3A_92, %dma_wait3A_93] : memref<56x768xf32, #tpu.memory_space<vmem>> -> memref<56x768xf32, #tpu.memory_space<vmem>>
    tpu.wait_dma2 semaphore(%arg13 : memref<!tpu.dma_semaphore, #tpu.memory_space<semaphore_mem>>) src(%dma_wait3A_94 : memref<56x768xf32, #tpu.memory_space<vmem>>) dst(%dma_wait3A_91 : memref<56x768xf32, #tpu.memory_space<hbm>>)
    %dma_start3A_95 = arith.constant 0 : i32
    %dma_start3A_96 = arith.constant 0 : i32
    %dma_start3A_97 = tpu.memref_slice %arg7[%dma_start3A_95, %dma_start3A_96] : memref<56x768xf32, #tpu.memory_space<vmem>> -> memref<56x768xf32, #tpu.memory_space<vmem>>
    %dma_start3A_98 = arith.constant 224 : i32
    %dma_start3A_99 = tpu.memref_slice %arg5[%dma_start3A_98] : memref<512xi32, #tpu.memory_space<vmem>> -> memref<56xi32, #tpu.memory_space<vmem>>
    %dma_start3A_100 = arith.constant 0 : i32
    %dma_start3A_101 = arith.constant 0 : i32
    %dma_start3A_102 = tpu.memref_slice %arg3[%dma_start3A_100, %dma_start3A_101] : memref<100000x768xf32, #tpu.memory_space<hbm>> -> memref<100000x768xf32, #tpu.memory_space<hbm>>
    tpu.enqueue_indirect_dma source(%dma_start3A_102 : memref<100000x768xf32, #tpu.memory_space<hbm>>) target(%dma_start3A_97 : memref<56x768xf32, #tpu.memory_space<vmem>>) offsets(%dma_start3A_99 : memref<56xi32, #tpu.memory_space<vmem>>) semaphore(%arg10 : memref<!tpu.dma_semaphore, #tpu.memory_space<semaphore_mem>>)
    %dma_wait3A_103 = arith.constant 0 : i32
    %dma_wait3A_104 = arith.constant 0 : i32
    %dma_wait3A_105 = tpu.memref_slice %arg8[%dma_wait3A_103, %dma_wait3A_104] : memref<56x768xf32, #tpu.memory_space<vmem>> -> memref<56x768xf32, #tpu.memory_space<vmem>>
    %dma_wait3A_106 = arith.constant 112 : i32
    %dma_wait3A_107 = tpu.memref_slice %arg5[%dma_wait3A_106] : memref<512xi32, #tpu.memory_space<vmem>> -> memref<56xi32, #tpu.memory_space<vmem>>
    %dma_wait3A_108 = arith.constant 0 : i32
    %dma_wait3A_109 = arith.constant 0 : i32
    %dma_wait3A_110 = tpu.memref_slice %arg3[%dma_wait3A_108, %dma_wait3A_109] : memref<100000x768xf32, #tpu.memory_space<hbm>> -> memref<100000x768xf32, #tpu.memory_space<hbm>>
    tpu.wait_indirect_dma semaphore(%arg11 : memref<!tpu.dma_semaphore, #tpu.memory_space<semaphore_mem>>) src(%dma_wait3A_110 : memref<100000x768xf32, #tpu.memory_space<hbm>>) dst(%dma_wait3A_105 : memref<56x768xf32, #tpu.memory_space<vmem>>)
    %add3A_111 = arith.constant 112 : i32
    %add3A_112 = arith.addi %mul3A_2, %add3A_111 : i32
    %dma_start3A_113 = arith.constant 0 : i32
    %dma_start3A_114 = arith.constant 0 : i32
    %dma_start3A_115 = tpu.memref_slice %arg8[%dma_start3A_113, %dma_start3A_114] : memref<56x768xf32, #tpu.memory_space<vmem>> -> memref<56x768xf32, #tpu.memory_space<vmem>>
    %dma_start3A_116 = arith.constant 0 : i32
    %dma_start3A_117 = tpu.memref_slice %arg4[%add3A_112, %dma_start3A_116] : memref<16384x768xf32, #tpu.memory_space<hbm>> -> memref<56x768xf32, #tpu.memory_space<hbm>>
    %dma_start3A_118 = arith.constant 0 : i32
    %dma_start3A_119 = tpu.memref_slice %arg4[%add3A_112, %dma_start3A_118] : memref<16384x768xf32, #tpu.memory_space<hbm>> -> memref<56x768xf32, #tpu.memory_space<hbm>>
    %dma_start3A_120 = arith.constant 0 : i32
    %dma_start3A_121 = arith.constant 0 : i32
    %dma_start3A_122 = tpu.memref_slice %arg8[%dma_start3A_120, %dma_start3A_121] : memref<56x768xf32, #tpu.memory_space<vmem>> -> memref<56x768xf32, #tpu.memory_space<vmem>>
    tpu.enqueue_dma source(%dma_start3A_122 : memref<56x768xf32, #tpu.memory_space<vmem>>) target(%dma_start3A_119 : memref<56x768xf32, #tpu.memory_space<hbm>>) target_semaphore(%arg14 : memref<!tpu.dma_semaphore, #tpu.memory_space<semaphore_mem>>)
    %dma_wait3A_123 = arith.constant 0 : i32
    %dma_wait3A_124 = arith.constant 0 : i32
    %dma_wait3A_125 = tpu.memref_slice %arg8[%dma_wait3A_123, %dma_wait3A_124] : memref<56x768xf32, #tpu.memory_space<vmem>> -> memref<56x768xf32, #tpu.memory_space<vmem>>
    %dma_wait3A_126 = arith.constant 0 : i32
    %dma_wait3A_127 = tpu.memref_slice %arg4[%add3A_112, %dma_wait3A_126] : memref<16384x768xf32, #tpu.memory_space<hbm>> -> memref<56x768xf32, #tpu.memory_space<hbm>>
    %dma_wait3A_128 = arith.constant 0 : i32
    %dma_wait3A_129 = tpu.memref_slice %arg4[%add3A_112, %dma_wait3A_128] : memref<16384x768xf32, #tpu.memory_space<hbm>> -> memref<56x768xf32, #tpu.memory_space<hbm>>
    %dma_wait3A_130 = arith.constant 0 : i32
    %dma_wait3A_131 = arith.constant 0 : i32
    %dma_wait3A_132 = tpu.memref_slice %arg8[%dma_wait3A_130, %dma_wait3A_131] : memref<56x768xf32, #tpu.memory_space<vmem>> -> memref<56x768xf32, #tpu.memory_space<vmem>>
    tpu.wait_dma2 semaphore(%arg14 : memref<!tpu.dma_semaphore, #tpu.memory_space<semaphore_mem>>) src(%dma_wait3A_132 : memref<56x768xf32, #tpu.memory_space<vmem>>) dst(%dma_wait3A_129 : memref<56x768xf32, #tpu.memory_space<hbm>>)
    %dma_start3A_133 = arith.constant 0 : i32
    %dma_start3A_134 = arith.constant 0 : i32
    %dma_start3A_135 = tpu.memref_slice %arg8[%dma_start3A_133, %dma_start3A_134] : memref<56x768xf32, #tpu.memory_space<vmem>> -> memref<56x768xf32, #tpu.memory_space<vmem>>
    %dma_start3A_136 = arith.constant 280 : i32
    %dma_start3A_137 = tpu.memref_slice %arg5[%dma_start3A_136] : memref<512xi32, #tpu.memory_space<vmem>> -> memref<56xi32, #tpu.memory_space<vmem>>
    %dma_start3A_138 = arith.constant 0 : i32
    %dma_start3A_139 = arith.constant 0 : i32
    %dma_start3A_140 = tpu.memref_slice %arg3[%dma_start3A_138, %dma_start3A_139] : memref<100000x768xf32, #tpu.memory_space<hbm>> -> memref<100000x768xf32, #tpu.memory_space<hbm>>
    tpu.enqueue_indirect_dma source(%dma_start3A_140 : memref<100000x768xf32, #tpu.memory_space<hbm>>) target(%dma_start3A_135 : memref<56x768xf32, #tpu.memory_space<vmem>>) offsets(%dma_start3A_137 : memref<56xi32, #tpu.memory_space<vmem>>) semaphore(%arg11 : memref<!tpu.dma_semaphore, #tpu.memory_space<semaphore_mem>>)
    %dma_wait3A_141 = arith.constant 0 : i32
    %dma_wait3A_142 = arith.constant 0 : i32
    %dma_wait3A_143 = tpu.memref_slice %arg6[%dma_wait3A_141, %dma_wait3A_142] : memref<56x768xf32, #tpu.memory_space<vmem>> -> memref<56x768xf32, #tpu.memory_space<vmem>>
    %dma_wait3A_144 = arith.constant 168 : i32
    %dma_wait3A_145 = tpu.memref_slice %arg5[%dma_wait3A_144] : memref<512xi32, #tpu.memory_space<vmem>> -> memref<56xi32, #tpu.memory_space<vmem>>
    %dma_wait3A_146 = arith.constant 0 : i32
    %dma_wait3A_147 = arith.constant 0 : i32
    %dma_wait3A_148 = tpu.memref_slice %arg3[%dma_wait3A_146, %dma_wait3A_147] : memref<100000x768xf32, #tpu.memory_space<hbm>> -> memref<100000x768xf32, #tpu.memory_space<hbm>>
    tpu.wait_indirect_dma semaphore(%arg9 : memref<!tpu.dma_semaphore, #tpu.memory_space<semaphore_mem>>) src(%dma_wait3A_148 : memref<100000x768xf32, #tpu.memory_space<hbm>>) dst(%dma_wait3A_143 : memref<56x768xf32, #tpu.memory_space<vmem>>)
    %add3A_149 = arith.constant 168 : i32
    %add3A_150 = arith.addi %mul3A_2, %add3A_149 : i32
    %dma_start3A_151 = arith.constant 0 : i32
    %dma_start3A_152 = arith.constant 0 : i32
    %dma_start3A_153 = tpu.memref_slice %arg6[%dma_start3A_151, %dma_start3A_152] : memref<56x768xf32, #tpu.memory_space<vmem>> -> memref<56x768xf32, #tpu.memory_space<vmem>>
    %dma_start3A_154 = arith.constant 0 : i32
    %dma_start3A_155 = tpu.memref_slice %arg4[%add3A_150, %dma_start3A_154] : memref<16384x768xf32, #tpu.memory_space<hbm>> -> memref<56x768xf32, #tpu.memory_space<hbm>>
    %dma_start3A_156 = arith.constant 0 : i32
    %dma_start3A_157 = tpu.memref_slice %arg4[%add3A_150, %dma_start3A_156] : memref<16384x768xf32, #tpu.memory_space<hbm>> -> memref<56x768xf32, #tpu.memory_space<hbm>>
    %dma_start3A_158 = arith.constant 0 : i32
    %dma_start3A_159 = arith.constant 0 : i32
    %dma_start3A_160 = tpu.memref_slice %arg6[%dma_start3A_158, %dma_start3A_159] : memref<56x768xf32, #tpu.memory_space<vmem>> -> memref<56x768xf32, #tpu.memory_space<vmem>>
    tpu.enqueue_dma source(%dma_start3A_160 : memref<56x768xf32, #tpu.memory_space<vmem>>) target(%dma_start3A_157 : memref<56x768xf32, #tpu.memory_space<hbm>>) target_semaphore(%arg12 : memref<!tpu.dma_semaphore, #tpu.memory_space<semaphore_mem>>)
    %dma_wait3A_161 = arith.constant 0 : i32
    %dma_wait3A_162 = arith.constant 0 : i32
    %dma_wait3A_163 = tpu.memref_slice %arg6[%dma_wait3A_161, %dma_wait3A_162] : memref<56x768xf32, #tpu.memory_space<vmem>> -> memref<56x768xf32, #tpu.memory_space<vmem>>
    %dma_wait3A_164 = arith.constant 0 : i32
    %dma_wait3A_165 = tpu.memref_slice %arg4[%add3A_150, %dma_wait3A_164] : memref<16384x768xf32, #tpu.memory_space<hbm>> -> memref<56x768xf32, #tpu.memory_space<hbm>>
    %dma_wait3A_166 = arith.constant 0 : i32
    %dma_wait3A_167 = tpu.memref_slice %arg4[%add3A_150, %dma_wait3A_166] : memref<16384x768xf32, #tpu.memory_space<hbm>> -> memref<56x768xf32, #tpu.memory_space<hbm>>
    %dma_wait3A_168 = arith.constant 0 : i32
    %dma_wait3A_169 = arith.constant 0 : i32
    %dma_wait3A_170 = tpu.memref_slice %arg6[%dma_wait3A_168, %dma_wait3A_169] : memref<56x768xf32, #tpu.memory_space<vmem>> -> memref<56x768xf32, #tpu.memory_space<vmem>>
    tpu.wait_dma2 semaphore(%arg12 : memref<!tpu.dma_semaphore, #tpu.memory_space<semaphore_mem>>) src(%dma_wait3A_170 : memref<56x768xf32, #tpu.memory_space<vmem>>) dst(%dma_wait3A_167 : memref<56x768xf32, #tpu.memory_space<hbm>>)
    %dma_start3A_171 = arith.constant 0 : i32
    %dma_start3A_172 = arith.constant 0 : i32
    %dma_start3A_173 = tpu.memref_slice %arg6[%dma_start3A_171, %dma_start3A_172] : memref<56x768xf32, #tpu.memory_space<vmem>> -> memref<56x768xf32, #tpu.memory_space<vmem>>
    %dma_start3A_174 = arith.constant 336 : i32
    %dma_start3A_175 = tpu.memref_slice %arg5[%dma_start3A_174] : memref<512xi32, #tpu.memory_space<vmem>> -> memref<56xi32, #tpu.memory_space<vmem>>
    %dma_start3A_176 = arith.constant 0 : i32
    %dma_start3A_177 = arith.constant 0 : i32
    %dma_start3A_178 = tpu.memref_slice %arg3[%dma_start3A_176, %dma_start3A_177] : memref<100000x768xf32, #tpu.memory_space<hbm>> -> memref<100000x768xf32, #tpu.memory_space<hbm>>
    tpu.enqueue_indirect_dma source(%dma_start3A_178 : memref<100000x768xf32, #tpu.memory_space<hbm>>) target(%dma_start3A_173 : memref<56x768xf32, #tpu.memory_space<vmem>>) offsets(%dma_start3A_175 : memref<56xi32, #tpu.memory_space<vmem>>) semaphore(%arg9 : memref<!tpu.dma_semaphore, #tpu.memory_space<semaphore_mem>>)
    %dma_wait3A_179 = arith.constant 0 : i32
    %dma_wait3A_180 = arith.constant 0 : i32
    %dma_wait3A_181 = tpu.memref_slice %arg7[%dma_wait3A_179, %dma_wait3A_180] : memref<56x768xf32, #tpu.memory_space<vmem>> -> memref<56x768xf32, #tpu.memory_space<vmem>>
    %dma_wait3A_182 = arith.constant 224 : i32
    %dma_wait3A_183 = tpu.memref_slice %arg5[%dma_wait3A_182] : memref<512xi32, #tpu.memory_space<vmem>> -> memref<56xi32, #tpu.memory_space<vmem>>
    %dma_wait3A_184 = arith.constant 0 : i32
    %dma_wait3A_185 = arith.constant 0 : i32
    %dma_wait3A_186 = tpu.memref_slice %arg3[%dma_wait3A_184, %dma_wait3A_185] : memref<100000x768xf32, #tpu.memory_space<hbm>> -> memref<100000x768xf32, #tpu.memory_space<hbm>>
    tpu.wait_indirect_dma semaphore(%arg10 : memref<!tpu.dma_semaphore, #tpu.memory_space<semaphore_mem>>) src(%dma_wait3A_186 : memref<100000x768xf32, #tpu.memory_space<hbm>>) dst(%dma_wait3A_181 : memref<56x768xf32, #tpu.memory_space<vmem>>)
    %add3A_187 = arith.constant 224 : i32
    %add3A_188 = arith.addi %mul3A_2, %add3A_187 : i32
    %dma_start3A_189 = arith.constant 0 : i32
    %dma_start3A_190 = arith.constant 0 : i32
    %dma_start3A_191 = tpu.memref_slice %arg7[%dma_start3A_189, %dma_start3A_190] : memref<56x768xf32, #tpu.memory_space<vmem>> -> memref<56x768xf32, #tpu.memory_space<vmem>>
    %dma_start3A_192 = arith.constant 0 : i32
    %dma_start3A_193 = tpu.memref_slice %arg4[%add3A_188, %dma_start3A_192] : memref<16384x768xf32, #tpu.memory_space<hbm>> -> memref<56x768xf32, #tpu.memory_space<hbm>>
    %dma_start3A_194 = arith.constant 0 : i32
    %dma_start3A_195 = tpu.memref_slice %arg4[%add3A_188, %dma_start3A_194] : memref<16384x768xf32, #tpu.memory_space<hbm>> -> memref<56x768xf32, #tpu.memory_space<hbm>>
    %dma_start3A_196 = arith.constant 0 : i32
    %dma_start3A_197 = arith.constant 0 : i32
    %dma_start3A_198 = tpu.memref_slice %arg7[%dma_start3A_196, %dma_start3A_197] : memref<56x768xf32, #tpu.memory_space<vmem>> -> memref<56x768xf32, #tpu.memory_space<vmem>>
    tpu.enqueue_dma source(%dma_start3A_198 : memref<56x768xf32, #tpu.memory_space<vmem>>) target(%dma_start3A_195 : memref<56x768xf32, #tpu.memory_space<hbm>>) target_semaphore(%arg13 : memref<!tpu.dma_semaphore, #tpu.memory_space<semaphore_mem>>)
    %dma_wait3A_199 = arith.constant 0 : i32
    %dma_wait3A_200 = arith.constant 0 : i32
    %dma_wait3A_201 = tpu.memref_slice %arg7[%dma_wait3A_199, %dma_wait3A_200] : memref<56x768xf32, #tpu.memory_space<vmem>> -> memref<56x768xf32, #tpu.memory_space<vmem>>
    %dma_wait3A_202 = arith.constant 0 : i32
    %dma_wait3A_203 = tpu.memref_slice %arg4[%add3A_188, %dma_wait3A_202] : memref<16384x768xf32, #tpu.memory_space<hbm>> -> memref<56x768xf32, #tpu.memory_space<hbm>>
    %dma_wait3A_204 = arith.constant 0 : i32
    %dma_wait3A_205 = tpu.memref_slice %arg4[%add3A_188, %dma_wait3A_204] : memref<16384x768xf32, #tpu.memory_space<hbm>> -> memref<56x768xf32, #tpu.memory_space<hbm>>
    %dma_wait3A_206 = arith.constant 0 : i32
    %dma_wait3A_207 = arith.constant 0 : i32
    %dma_wait3A_208 = tpu.memref_slice %arg7[%dma_wait3A_206, %dma_wait3A_207] : memref<56x768xf32, #tpu.memory_space<vmem>> -> memref<56x768xf32, #tpu.memory_space<vmem>>
    tpu.wait_dma2 semaphore(%arg13 : memref<!tpu.dma_semaphore, #tpu.memory_space<semaphore_mem>>) src(%dma_wait3A_208 : memref<56x768xf32, #tpu.memory_space<vmem>>) dst(%dma_wait3A_205 : memref<56x768xf32, #tpu.memory_space<hbm>>)
    %dma_start3A_209 = arith.constant 0 : i32
    %dma_start3A_210 = arith.constant 0 : i32
    %dma_start3A_211 = tpu.memref_slice %arg7[%dma_start3A_209, %dma_start3A_210] : memref<56x768xf32, #tpu.memory_space<vmem>> -> memref<56x768xf32, #tpu.memory_space<vmem>>
    %dma_start3A_212 = arith.constant 392 : i32
    %dma_start3A_213 = tpu.memref_slice %arg5[%dma_start3A_212] : memref<512xi32, #tpu.memory_space<vmem>> -> memref<56xi32, #tpu.memory_space<vmem>>
    %dma_start3A_214 = arith.constant 0 : i32
    %dma_start3A_215 = arith.constant 0 : i32
    %dma_start3A_216 = tpu.memref_slice %arg3[%dma_start3A_214, %dma_start3A_215] : memref<100000x768xf32, #tpu.memory_space<hbm>> -> memref<100000x768xf32, #tpu.memory_space<hbm>>
    tpu.enqueue_indirect_dma source(%dma_start3A_216 : memref<100000x768xf32, #tpu.memory_space<hbm>>) target(%dma_start3A_211 : memref<56x768xf32, #tpu.memory_space<vmem>>) offsets(%dma_start3A_213 : memref<56xi32, #tpu.memory_space<vmem>>) semaphore(%arg10 : memref<!tpu.dma_semaphore, #tpu.memory_space<semaphore_mem>>)
    %dma_wait3A_217 = arith.constant 0 : i32
    %dma_wait3A_218 = arith.constant 0 : i32
    %dma_wait3A_219 = tpu.memref_slice %arg8[%dma_wait3A_217, %dma_wait3A_218] : memref<56x768xf32, #tpu.memory_space<vmem>> -> memref<56x768xf32, #tpu.memory_space<vmem>>
    %dma_wait3A_220 = arith.constant 280 : i32
    %dma_wait3A_221 = tpu.memref_slice %arg5[%dma_wait3A_220] : memref<512xi32, #tpu.memory_space<vmem>> -> memref<56xi32, #tpu.memory_space<vmem>>
    %dma_wait3A_222 = arith.constant 0 : i32
    %dma_wait3A_223 = arith.constant 0 : i32
    %dma_wait3A_224 = tpu.memref_slice %arg3[%dma_wait3A_222, %dma_wait3A_223] : memref<100000x768xf32, #tpu.memory_space<hbm>> -> memref<100000x768xf32, #tpu.memory_space<hbm>>
    tpu.wait_indirect_dma semaphore(%arg11 : memref<!tpu.dma_semaphore, #tpu.memory_space<semaphore_mem>>) src(%dma_wait3A_224 : memref<100000x768xf32, #tpu.memory_space<hbm>>) dst(%dma_wait3A_219 : memref<56x768xf32, #tpu.memory_space<vmem>>)
    %add3A_225 = arith.constant 280 : i32
    %add3A_226 = arith.addi %mul3A_2, %add3A_225 : i32
    %dma_start3A_227 = arith.constant 0 : i32
    %dma_start3A_228 = arith.constant 0 : i32
    %dma_start3A_229 = tpu.memref_slice %arg8[%dma_start3A_227, %dma_start3A_228] : memref<56x768xf32, #tpu.memory_space<vmem>> -> memref<56x768xf32, #tpu.memory_space<vmem>>
    %dma_start3A_230 = arith.constant 0 : i32
    %dma_start3A_231 = tpu.memref_slice %arg4[%add3A_226, %dma_start3A_230] : memref<16384x768xf32, #tpu.memory_space<hbm>> -> memref<56x768xf32, #tpu.memory_space<hbm>>
    %dma_start3A_232 = arith.constant 0 : i32
    %dma_start3A_233 = tpu.memref_slice %arg4[%add3A_226, %dma_start3A_232] : memref<16384x768xf32, #tpu.memory_space<hbm>> -> memref<56x768xf32, #tpu.memory_space<hbm>>
    %dma_start3A_234 = arith.constant 0 : i32
    %dma_start3A_235 = arith.constant 0 : i32
    %dma_start3A_236 = tpu.memref_slice %arg8[%dma_start3A_234, %dma_start3A_235] : memref<56x768xf32, #tpu.memory_space<vmem>> -> memref<56x768xf32, #tpu.memory_space<vmem>>
    tpu.enqueue_dma source(%dma_start3A_236 : memref<56x768xf32, #tpu.memory_space<vmem>>) target(%dma_start3A_233 : memref<56x768xf32, #tpu.memory_space<hbm>>) target_semaphore(%arg14 : memref<!tpu.dma_semaphore, #tpu.memory_space<semaphore_mem>>)
    %dma_wait3A_237 = arith.constant 0 : i32
    %dma_wait3A_238 = arith.constant 0 : i32
    %dma_wait3A_239 = tpu.memref_slice %arg8[%dma_wait3A_237, %dma_wait3A_238] : memref<56x768xf32, #tpu.memory_space<vmem>> -> memref<56x768xf32, #tpu.memory_space<vmem>>
    %dma_wait3A_240 = arith.constant 0 : i32
    %dma_wait3A_241 = tpu.memref_slice %arg4[%add3A_226, %dma_wait3A_240] : memref<16384x768xf32, #tpu.memory_space<hbm>> -> memref<56x768xf32, #tpu.memory_space<hbm>>
    %dma_wait3A_242 = arith.constant 0 : i32
    %dma_wait3A_243 = tpu.memref_slice %arg4[%add3A_226, %dma_wait3A_242] : memref<16384x768xf32, #tpu.memory_space<hbm>> -> memref<56x768xf32, #tpu.memory_space<hbm>>
    %dma_wait3A_244 = arith.constant 0 : i32
    %dma_wait3A_245 = arith.constant 0 : i32
    %dma_wait3A_246 = tpu.memref_slice %arg8[%dma_wait3A_244, %dma_wait3A_245] : memref<56x768xf32, #tpu.memory_space<vmem>> -> memref<56x768xf32, #tpu.memory_space<vmem>>
    tpu.wait_dma2 semaphore(%arg14 : memref<!tpu.dma_semaphore, #tpu.memory_space<semaphore_mem>>) src(%dma_wait3A_246 : memref<56x768xf32, #tpu.memory_space<vmem>>) dst(%dma_wait3A_243 : memref<56x768xf32, #tpu.memory_space<hbm>>)
    %dma_start3A_247 = arith.constant 0 : i32
    %dma_start3A_248 = arith.constant 0 : i32
    %dma_start3A_249 = tpu.memref_slice %arg8[%dma_start3A_247, %dma_start3A_248] : memref<56x768xf32, #tpu.memory_space<vmem>> -> memref<56x768xf32, #tpu.memory_space<vmem>>
    %dma_start3A_250 = arith.constant 448 : i32
    %dma_start3A_251 = tpu.memref_slice %arg5[%dma_start3A_250] : memref<512xi32, #tpu.memory_space<vmem>> -> memref<56xi32, #tpu.memory_space<vmem>>
    %dma_start3A_252 = arith.constant 0 : i32
    %dma_start3A_253 = arith.constant 0 : i32
    %dma_start3A_254 = tpu.memref_slice %arg3[%dma_start3A_252, %dma_start3A_253] : memref<100000x768xf32, #tpu.memory_space<hbm>> -> memref<100000x768xf32, #tpu.memory_space<hbm>>
    tpu.enqueue_indirect_dma source(%dma_start3A_254 : memref<100000x768xf32, #tpu.memory_space<hbm>>) target(%dma_start3A_249 : memref<56x768xf32, #tpu.memory_space<vmem>>) offsets(%dma_start3A_251 : memref<56xi32, #tpu.memory_space<vmem>>) semaphore(%arg11 : memref<!tpu.dma_semaphore, #tpu.memory_space<semaphore_mem>>)
    %dma_wait3A_255 = arith.constant 0 : i32
    %dma_wait3A_256 = arith.constant 0 : i32
    %dma_wait3A_257 = tpu.memref_slice %arg6[%dma_wait3A_255, %dma_wait3A_256] : memref<56x768xf32, #tpu.memory_space<vmem>> -> memref<56x768xf32, #tpu.memory_space<vmem>>
    %dma_wait3A_258 = arith.constant 336 : i32
    %dma_wait3A_259 = tpu.memref_slice %arg5[%dma_wait3A_258] : memref<512xi32, #tpu.memory_space<vmem>> -> memref<56xi32, #tpu.memory_space<vmem>>
    %dma_wait3A_260 = arith.constant 0 : i32
    %dma_wait3A_261 = arith.constant 0 : i32
    %dma_wait3A_262 = tpu.memref_slice %arg3[%dma_wait3A_260, %dma_wait3A_261] : memref<100000x768xf32, #tpu.memory_space<hbm>> -> memref<100000x768xf32, #tpu.memory_space<hbm>>
    tpu.wait_indirect_dma semaphore(%arg9 : memref<!tpu.dma_semaphore, #tpu.memory_space<semaphore_mem>>) src(%dma_wait3A_262 : memref<100000x768xf32, #tpu.memory_space<hbm>>) dst(%dma_wait3A_257 : memref<56x768xf32, #tpu.memory_space<vmem>>)
    %add3A_263 = arith.constant 336 : i32
    %add3A_264 = arith.addi %mul3A_2, %add3A_263 : i32
    %dma_start3A_265 = arith.constant 0 : i32
    %dma_start3A_266 = arith.constant 0 : i32
    %dma_start3A_267 = tpu.memref_slice %arg6[%dma_start3A_265, %dma_start3A_266] : memref<56x768xf32, #tpu.memory_space<vmem>> -> memref<56x768xf32, #tpu.memory_space<vmem>>
    %dma_start3A_268 = arith.constant 0 : i32
    %dma_start3A_269 = tpu.memref_slice %arg4[%add3A_264, %dma_start3A_268] : memref<16384x768xf32, #tpu.memory_space<hbm>> -> memref<56x768xf32, #tpu.memory_space<hbm>>
    %dma_start3A_270 = arith.constant 0 : i32
    %dma_start3A_271 = tpu.memref_slice %arg4[%add3A_264, %dma_start3A_270] : memref<16384x768xf32, #tpu.memory_space<hbm>> -> memref<56x768xf32, #tpu.memory_space<hbm>>
    %dma_start3A_272 = arith.constant 0 : i32
    %dma_start3A_273 = arith.constant 0 : i32
    %dma_start3A_274 = tpu.memref_slice %arg6[%dma_start3A_272, %dma_start3A_273] : memref<56x768xf32, #tpu.memory_space<vmem>> -> memref<56x768xf32, #tpu.memory_space<vmem>>
    tpu.enqueue_dma source(%dma_start3A_274 : memref<56x768xf32, #tpu.memory_space<vmem>>) target(%dma_start3A_271 : memref<56x768xf32, #tpu.memory_space<hbm>>) target_semaphore(%arg12 : memref<!tpu.dma_semaphore, #tpu.memory_space<semaphore_mem>>)
    %dma_wait3A_275 = arith.constant 0 : i32
    %dma_wait3A_276 = arith.constant 0 : i32
    %dma_wait3A_277 = tpu.memref_slice %arg6[%dma_wait3A_275, %dma_wait3A_276] : memref<56x768xf32, #tpu.memory_space<vmem>> -> memref<56x768xf32, #tpu.memory_space<vmem>>
    %dma_wait3A_278 = arith.constant 0 : i32
    %dma_wait3A_279 = tpu.memref_slice %arg4[%add3A_264, %dma_wait3A_278] : memref<16384x768xf32, #tpu.memory_space<hbm>> -> memref<56x768xf32, #tpu.memory_space<hbm>>
    %dma_wait3A_280 = arith.constant 0 : i32
    %dma_wait3A_281 = tpu.memref_slice %arg4[%add3A_264, %dma_wait3A_280] : memref<16384x768xf32, #tpu.memory_space<hbm>> -> memref<56x768xf32, #tpu.memory_space<hbm>>
    %dma_wait3A_282 = arith.constant 0 : i32
    %dma_wait3A_283 = arith.constant 0 : i32
    %dma_wait3A_284 = tpu.memref_slice %arg6[%dma_wait3A_282, %dma_wait3A_283] : memref<56x768xf32, #tpu.memory_space<vmem>> -> memref<56x768xf32, #tpu.memory_space<vmem>>
    tpu.wait_dma2 semaphore(%arg12 : memref<!tpu.dma_semaphore, #tpu.memory_space<semaphore_mem>>) src(%dma_wait3A_284 : memref<56x768xf32, #tpu.memory_space<vmem>>) dst(%dma_wait3A_281 : memref<56x768xf32, #tpu.memory_space<hbm>>)
    %dma_start3A_285 = arith.constant 0 : i32
    %dma_start3A_286 = arith.constant 0 : i32
    %dma_start3A_287 = tpu.memref_slice %arg6[%dma_start3A_285, %dma_start3A_286] : memref<56x768xf32, #tpu.memory_space<vmem>> -> memref<8x768xf32, #tpu.memory_space<vmem>>
    %dma_start3A_288 = arith.constant 504 : i32
    %dma_start3A_289 = tpu.memref_slice %arg5[%dma_start3A_288] : memref<512xi32, #tpu.memory_space<vmem>> -> memref<8xi32, #tpu.memory_space<vmem>>
    %dma_start3A_290 = arith.constant 0 : i32
    %dma_start3A_291 = arith.constant 0 : i32
    %dma_start3A_292 = tpu.memref_slice %arg3[%dma_start3A_290, %dma_start3A_291] : memref<100000x768xf32, #tpu.memory_space<hbm>> -> memref<100000x768xf32, #tpu.memory_space<hbm>>
    tpu.enqueue_indirect_dma source(%dma_start3A_292 : memref<100000x768xf32, #tpu.memory_space<hbm>>) target(%dma_start3A_287 : memref<8x768xf32, #tpu.memory_space<vmem>>) offsets(%dma_start3A_289 : memref<8xi32, #tpu.memory_space<vmem>>) semaphore(%arg9 : memref<!tpu.dma_semaphore, #tpu.memory_space<semaphore_mem>>)
    %dma_wait3A_293 = arith.constant 0 : i32
    %dma_wait3A_294 = arith.constant 0 : i32
    %dma_wait3A_295 = tpu.memref_slice %arg7[%dma_wait3A_293, %dma_wait3A_294] : memref<56x768xf32, #tpu.memory_space<vmem>> -> memref<56x768xf32, #tpu.memory_space<vmem>>
    %dma_wait3A_296 = arith.constant 392 : i32
    %dma_wait3A_297 = tpu.memref_slice %arg5[%dma_wait3A_296] : memref<512xi32, #tpu.memory_space<vmem>> -> memref<56xi32, #tpu.memory_space<vmem>>
    %dma_wait3A_298 = arith.constant 0 : i32
    %dma_wait3A_299 = arith.constant 0 : i32
    %dma_wait3A_300 = tpu.memref_slice %arg3[%dma_wait3A_298, %dma_wait3A_299] : memref<100000x768xf32, #tpu.memory_space<hbm>> -> memref<100000x768xf32, #tpu.memory_space<hbm>>
    tpu.wait_indirect_dma semaphore(%arg10 : memref<!tpu.dma_semaphore, #tpu.memory_space<semaphore_mem>>) src(%dma_wait3A_300 : memref<100000x768xf32, #tpu.memory_space<hbm>>) dst(%dma_wait3A_295 : memref<56x768xf32, #tpu.memory_space<vmem>>)
    %add3A_301 = arith.constant 392 : i32
    %add3A_302 = arith.addi %mul3A_2, %add3A_301 : i32
    %dma_start3A_303 = arith.constant 0 : i32
    %dma_start3A_304 = arith.constant 0 : i32
    %dma_start3A_305 = tpu.memref_slice %arg7[%dma_start3A_303, %dma_start3A_304] : memref<56x768xf32, #tpu.memory_space<vmem>> -> memref<56x768xf32, #tpu.memory_space<vmem>>
    %dma_start3A_306 = arith.constant 0 : i32
    %dma_start3A_307 = tpu.memref_slice %arg4[%add3A_302, %dma_start3A_306] : memref<16384x768xf32, #tpu.memory_space<hbm>> -> memref<56x768xf32, #tpu.memory_space<hbm>>
    %dma_start3A_308 = arith.constant 0 : i32
    %dma_start3A_309 = tpu.memref_slice %arg4[%add3A_302, %dma_start3A_308] : memref<16384x768xf32, #tpu.memory_space<hbm>> -> memref<56x768xf32, #tpu.memory_space<hbm>>
    %dma_start3A_310 = arith.constant 0 : i32
    %dma_start3A_311 = arith.constant 0 : i32
    %dma_start3A_312 = tpu.memref_slice %arg7[%dma_start3A_310, %dma_start3A_311] : memref<56x768xf32, #tpu.memory_space<vmem>> -> memref<56x768xf32, #tpu.memory_space<vmem>>
    tpu.enqueue_dma source(%dma_start3A_312 : memref<56x768xf32, #tpu.memory_space<vmem>>) target(%dma_start3A_309 : memref<56x768xf32, #tpu.memory_space<hbm>>) target_semaphore(%arg13 : memref<!tpu.dma_semaphore, #tpu.memory_space<semaphore_mem>>)
    %dma_wait3A_313 = arith.constant 0 : i32
    %dma_wait3A_314 = arith.constant 0 : i32
    %dma_wait3A_315 = tpu.memref_slice %arg8[%dma_wait3A_313, %dma_wait3A_314] : memref<56x768xf32, #tpu.memory_space<vmem>> -> memref<56x768xf32, #tpu.memory_space<vmem>>
    %dma_wait3A_316 = arith.constant 448 : i32
    %dma_wait3A_317 = tpu.memref_slice %arg5[%dma_wait3A_316] : memref<512xi32, #tpu.memory_space<vmem>> -> memref<56xi32, #tpu.memory_space<vmem>>
    %dma_wait3A_318 = arith.constant 0 : i32
    %dma_wait3A_319 = arith.constant 0 : i32
    %dma_wait3A_320 = tpu.memref_slice %arg3[%dma_wait3A_318, %dma_wait3A_319] : memref<100000x768xf32, #tpu.memory_space<hbm>> -> memref<100000x768xf32, #tpu.memory_space<hbm>>
    tpu.wait_indirect_dma semaphore(%arg11 : memref<!tpu.dma_semaphore, #tpu.memory_space<semaphore_mem>>) src(%dma_wait3A_320 : memref<100000x768xf32, #tpu.memory_space<hbm>>) dst(%dma_wait3A_315 : memref<56x768xf32, #tpu.memory_space<vmem>>)
    %add3A_321 = arith.constant 448 : i32
    %add3A_322 = arith.addi %mul3A_2, %add3A_321 : i32
    %dma_start3A_323 = arith.constant 0 : i32
    %dma_start3A_324 = arith.constant 0 : i32
    %dma_start3A_325 = tpu.memref_slice %arg8[%dma_start3A_323, %dma_start3A_324] : memref<56x768xf32, #tpu.memory_space<vmem>> -> memref<56x768xf32, #tpu.memory_space<vmem>>
    %dma_start3A_326 = arith.constant 0 : i32
    %dma_start3A_327 = tpu.memref_slice %arg4[%add3A_322, %dma_start3A_326] : memref<16384x768xf32, #tpu.memory_space<hbm>> -> memref<56x768xf32, #tpu.memory_space<hbm>>
    %dma_start3A_328 = arith.constant 0 : i32
    %dma_start3A_329 = tpu.memref_slice %arg4[%add3A_322, %dma_start3A_328] : memref<16384x768xf32, #tpu.memory_space<hbm>> -> memref<56x768xf32, #tpu.memory_space<hbm>>
    %dma_start3A_330 = arith.constant 0 : i32
    %dma_start3A_331 = arith.constant 0 : i32
    %dma_start3A_332 = tpu.memref_slice %arg8[%dma_start3A_330, %dma_start3A_331] : memref<56x768xf32, #tpu.memory_space<vmem>> -> memref<56x768xf32, #tpu.memory_space<vmem>>
    tpu.enqueue_dma source(%dma_start3A_332 : memref<56x768xf32, #tpu.memory_space<vmem>>) target(%dma_start3A_329 : memref<56x768xf32, #tpu.memory_space<hbm>>) target_semaphore(%arg14 : memref<!tpu.dma_semaphore, #tpu.memory_space<semaphore_mem>>)
    %dma_wait3A_333 = arith.constant 0 : i32
    %dma_wait3A_334 = arith.constant 0 : i32
    %dma_wait3A_335 = tpu.memref_slice %arg6[%dma_wait3A_333, %dma_wait3A_334] : memref<56x768xf32, #tpu.memory_space<vmem>> -> memref<8x768xf32, #tpu.memory_space<vmem>>
    %dma_wait3A_336 = arith.constant 504 : i32
    %dma_wait3A_337 = tpu.memref_slice %arg5[%dma_wait3A_336] : memref<512xi32, #tpu.memory_space<vmem>> -> memref<8xi32, #tpu.memory_space<vmem>>
    %dma_wait3A_338 = arith.constant 0 : i32
    %dma_wait3A_339 = arith.constant 0 : i32
    %dma_wait3A_340 = tpu.memref_slice %arg3[%dma_wait3A_338, %dma_wait3A_339] : memref<100000x768xf32, #tpu.memory_space<hbm>> -> memref<100000x768xf32, #tpu.memory_space<hbm>>
    tpu.wait_indirect_dma semaphore(%arg9 : memref<!tpu.dma_semaphore, #tpu.memory_space<semaphore_mem>>) src(%dma_wait3A_340 : memref<100000x768xf32, #tpu.memory_space<hbm>>) dst(%dma_wait3A_335 : memref<8x768xf32, #tpu.memory_space<vmem>>)
    %add3A_341 = arith.constant 504 : i32
    %add3A_342 = arith.addi %mul3A_2, %add3A_341 : i32
    %dma_start3A_343 = arith.constant 0 : i32
    %dma_start3A_344 = arith.constant 0 : i32
    %dma_start3A_345 = tpu.memref_slice %arg6[%dma_start3A_343, %dma_start3A_344] : memref<56x768xf32, #tpu.memory_space<vmem>> -> memref<8x768xf32, #tpu.memory_space<vmem>>
    %dma_start3A_346 = arith.constant 0 : i32
    %dma_start3A_347 = tpu.memref_slice %arg4[%add3A_342, %dma_start3A_346] : memref<16384x768xf32, #tpu.memory_space<hbm>> -> memref<8x768xf32, #tpu.memory_space<hbm>>
    %dma_start3A_348 = arith.constant 0 : i32
    %dma_start3A_349 = tpu.memref_slice %arg4[%add3A_342, %dma_start3A_348] : memref<16384x768xf32, #tpu.memory_space<hbm>> -> memref<8x768xf32, #tpu.memory_space<hbm>>
    %dma_start3A_350 = arith.constant 0 : i32
    %dma_start3A_351 = arith.constant 0 : i32
    %dma_start3A_352 = tpu.memref_slice %arg6[%dma_start3A_350, %dma_start3A_351] : memref<56x768xf32, #tpu.memory_space<vmem>> -> memref<8x768xf32, #tpu.memory_space<vmem>>
    tpu.enqueue_dma source(%dma_start3A_352 : memref<8x768xf32, #tpu.memory_space<vmem>>) target(%dma_start3A_349 : memref<8x768xf32, #tpu.memory_space<hbm>>) target_semaphore(%arg12 : memref<!tpu.dma_semaphore, #tpu.memory_space<semaphore_mem>>)
    %dma_wait3A_353 = arith.constant 0 : i32
    %dma_wait3A_354 = arith.constant 0 : i32
    %dma_wait3A_355 = tpu.memref_slice %arg6[%dma_wait3A_353, %dma_wait3A_354] : memref<56x768xf32, #tpu.memory_space<vmem>> -> memref<8x768xf32, #tpu.memory_space<vmem>>
    %dma_wait3A_356 = arith.constant 0 : i32
    %dma_wait3A_357 = tpu.memref_slice %arg4[%add3A_342, %dma_wait3A_356] : memref<16384x768xf32, #tpu.memory_space<hbm>> -> memref<8x768xf32, #tpu.memory_space<hbm>>
    %dma_wait3A_358 = arith.constant 0 : i32
    %dma_wait3A_359 = tpu.memref_slice %arg4[%add3A_342, %dma_wait3A_358] : memref<16384x768xf32, #tpu.memory_space<hbm>> -> memref<8x768xf32, #tpu.memory_space<hbm>>
    %dma_wait3A_360 = arith.constant 0 : i32
    %dma_wait3A_361 = arith.constant 0 : i32
    %dma_wait3A_362 = tpu.memref_slice %arg6[%dma_wait3A_360, %dma_wait3A_361] : memref<56x768xf32, #tpu.memory_space<vmem>> -> memref<8x768xf32, #tpu.memory_space<vmem>>
    tpu.wait_dma2 semaphore(%arg12 : memref<!tpu.dma_semaphore, #tpu.memory_space<semaphore_mem>>) src(%dma_wait3A_362 : memref<8x768xf32, #tpu.memory_space<vmem>>) dst(%dma_wait3A_359 : memref<8x768xf32, #tpu.memory_space<hbm>>)
    %dma_wait3A_363 = arith.constant 0 : i32
    %dma_wait3A_364 = arith.constant 0 : i32
    %dma_wait3A_365 = tpu.memref_slice %arg8[%dma_wait3A_363, %dma_wait3A_364] : memref<56x768xf32, #tpu.memory_space<vmem>> -> memref<56x768xf32, #tpu.memory_space<vmem>>
    %dma_wait3A_366 = arith.constant 0 : i32
    %dma_wait3A_367 = tpu.memref_slice %arg4[%add3A_322, %dma_wait3A_366] : memref<16384x768xf32, #tpu.memory_space<hbm>> -> memref<56x768xf32, #tpu.memory_space<hbm>>
    %dma_wait3A_368 = arith.constant 0 : i32
    %dma_wait3A_369 = tpu.memref_slice %arg4[%add3A_322, %dma_wait3A_368] : memref<16384x768xf32, #tpu.memory_space<hbm>> -> memref<56x768xf32, #tpu.memory_space<hbm>>
    %dma_wait3A_370 = arith.constant 0 : i32
    %dma_wait3A_371 = arith.constant 0 : i32
    %dma_wait3A_372 = tpu.memref_slice %arg8[%dma_wait3A_370, %dma_wait3A_371] : memref<56x768xf32, #tpu.memory_space<vmem>> -> memref<56x768xf32, #tpu.memory_space<vmem>>
    tpu.wait_dma2 semaphore(%arg14 : memref<!tpu.dma_semaphore, #tpu.memory_space<semaphore_mem>>) src(%dma_wait3A_372 : memref<56x768xf32, #tpu.memory_space<vmem>>) dst(%dma_wait3A_369 : memref<56x768xf32, #tpu.memory_space<hbm>>)
    %dma_wait3A_373 = arith.constant 0 : i32
    %dma_wait3A_374 = arith.constant 0 : i32
    %dma_wait3A_375 = tpu.memref_slice %arg7[%dma_wait3A_373, %dma_wait3A_374] : memref<56x768xf32, #tpu.memory_space<vmem>> -> memref<56x768xf32, #tpu.memory_space<vmem>>
    %dma_wait3A_376 = arith.constant 0 : i32
    %dma_wait3A_377 = tpu.memref_slice %arg4[%add3A_302, %dma_wait3A_376] : memref<16384x768xf32, #tpu.memory_space<hbm>> -> memref<56x768xf32, #tpu.memory_space<hbm>>
    %dma_wait3A_378 = arith.constant 0 : i32
    %dma_wait3A_379 = tpu.memref_slice %arg4[%add3A_302, %dma_wait3A_378] : memref<16384x768xf32, #tpu.memory_space<hbm>> -> memref<56x768xf32, #tpu.memory_space<hbm>>
    %dma_wait3A_380 = arith.constant 0 : i32
    %dma_wait3A_381 = arith.constant 0 : i32
    %dma_wait3A_382 = tpu.memref_slice %arg7[%dma_wait3A_380, %dma_wait3A_381] : memref<56x768xf32, #tpu.memory_space<vmem>> -> memref<56x768xf32, #tpu.memory_space<vmem>>
    tpu.wait_dma2 semaphore(%arg13 : memref<!tpu.dma_semaphore, #tpu.memory_space<semaphore_mem>>) src(%dma_wait3A_382 : memref<56x768xf32, #tpu.memory_space<vmem>>) dst(%dma_wait3A_379 : memref<56x768xf32, #tpu.memory_space<hbm>>)
    return
  }
}

</mosaic_0001>

<sc_bundles>
// kernel: kernel.3.cloned.1.call-start
scs
__scs_entry_jumppad:
0x0: {  	(pc) =	sbr.rel $0x88, $3  }
0x1: {  	(tag) =	ssettag $0x0;
	lr =	simm.s32 $0x1  }
0x2: {  	[smem:$0x3F9F] =	sst lr;
	_ =	strace $0xD0000000  }
0x3: {  	_ = 	snop  }
0x4: {  	_ = 	snop  }
0x5: {  	_ = 	snop  }
0x6: {  	_ = 	snop  }
0x7: {  	_ = 	snop  }
__scs_overlays_trampoline_lowered:
0x8: {  	[smem:$0x3FAE] =	sst s0  }
0x9: {  	[smem:$0x3FAF] =	sst s1  }
0xa: {  	[smem:$0x3FB0] =	sst s2  }
0xb: {  	[smem:$0x3FB1] =	sst s3  }
0xc: {  	[smem:$0x3FB2] =	sst s4  }
0xd: {  	[smem:$0x3FB3] =	sst s5  }
0xe: {  	[smem:$0x3FB4] =	sst s6  }
0xf: {  	[smem:$0x3FB5] =	sst s7  }
0x10: {  	[smem:$0x3FB6] =	sst s8  }
0x11: {  	[smem:$0x3FB7] =	sst s9;
	s0 =	simm.s32 @!p0 $0x0  }
0x12: {  	s1 =	sld [smem:$0x3F9D];
	s0 =	simm.s32 @p0 $0x1  }
0x13: {  	[smem:$0x3FB8] =	sst s0;
	s0 =	simm.s32 @!p1 $0x0  }
0x14: {  	s2 =	sld [smem:$0x3F9C];
	s0 =	simm.s32 @p1 $0x1  }
0x15: {  	[smem:$0x3FB9] =	sst s0;
	s0 =	simm.s32 @!p2 $0x0  }
0x16: {  	s3 =	sld [smem:$0x3FDB];
	s0 =	simm.s32 @p2 $0x1  }
0x17: {  	s4 =	simm.s32 $0x1BF5;
	[smem:$0x3FBB] =	sst s0  }
0x18: {  	s0 =	sld [smem:$0x3F9E];
	_ =	swait.ge [sflag:s4], $0x0  }
0x19: {  	s7 =	sld [smem:$0x3F9F]  }
0x1a: {  	s8 =	sadd.s32 $0xFFFFE003, lr  }
0x1b: {  	s9 =	sadd.s32 $0xFFFFFEF7, lr;
	s5 =	simm.s32 $0xFFFFFFFF;
	p2 =	slt.u32 s8, $0xFFFFF086  }
0x1c: {  	p1 =	slt.u32 s9, $0xF7A;
	s5 =	simm.s32 @!p2 $0x0  }
0x1d: {  	s5 =	simm.s32 @p1 $0x1;
	p0 =	seq.s32 s7, s2  }
0x1e: {  	s7 =	smul.u32 @!p0 $0xF7A, s2;
	p2 =	seq.s32 @!p0 s5, $0x0  }
0x1f: {  	s9 =	smul.u32 $0xF7A, s1;
	s8 =	simm.s32 @!p0 $0x1BF5;
	p2 =	por !p2, p0  }
0x20: {  	[sflag:s8] =	ssyncset.s32 @!p0 $0xFFFFF086;
	s6 =	sadd.s32 @!p0 s3, s7;
	s7 =	simm.s32 @!p0 $0x108  }
0x21: {  	s3 =	sadd.s32 s3, s9;
	s6 =	sadd.s32 @!p0 $0x88, s6;
	s7 =	simm.s32 @p2 $0x1082  }
0x22: {  	[simem:s7], [sflag:s8] =	dma.local @!p0 [hbm:s6], $0xF7A  }
0x23: {  	s9 =	sor.u32 $0xD0000000, s2;
	s6 =	simm.s32 $0x108;
	_ =	swait.ge @!p0 [sflag:s8], $0x0  }
0x24: {  	s3 =	sadd.s32 $0x88, s3;
	s6 =	simm.s32 @!p1 $0x1082;
	[sflag:s4] =	ssyncset.s32 $0xFFFFF086  }
0x25: {  	[simem:s6], [sflag:s4] =	dma.local [hbm:s3], $0xF7A  }
0x26: {  	[smem:$0x3F9F] =	sst s1;
	(tag) =	ssettag s2;
	_ =	strace s9  }
0x27: {  	s1 =	sld [smem:$0x3FAF]  }
0x28: {  	s2 =	sld [smem:$0x3FB0]  }
0x29: {  	s4 =	sld [smem:$0x3FB2]  }
0x2a: {  	p0 =	seq.s32 s5, $0x0;
	s5 =	sld [smem:$0x3FB3]  }
0x2b: {  	s6 =	sld [smem:$0x3FB4]  }
0x2c: {  	s7 =	sld [smem:$0x3FB5]  }
0x2d: {  	s3 =	simm.s32 $0x108;
	s8 =	sld [smem:$0x3FB6]  }
0x2e: {  	s3 =	simm.s32 @!p0 $0x1082;
	s9 =	sld [smem:$0x3FB7]  }
0x2f: {  	lr =	sadd.s32 s0, s3;
	s0 =	sld [smem:$0x3FAE]  }
0x30: {  	s3 =	sld [smem:$0x3FB1]  }
0x31: {  	[smem:$0x3FBA] =	sst s10  }
0x32: {  	s10 =	sld [smem:$0x3FB8];
	_ =	sdelay $0x3  }
0x33: {  	p0 =	seq.s32 s10, $0x1;
	s10 =	sld [smem:$0x3FBA];
	_ =	sdelay $0x3  }
0x34: {  	[smem:$0x3FBA] =	sst s10  }
0x35: {  	s10 =	sld [smem:$0x3FB9];
	_ =	sdelay $0x3  }
0x36: {  	p1 =	seq.s32 s10, $0x1;
	s10 =	sld [smem:$0x3FBA];
	_ =	sdelay $0x3  }
0x37: {  	[smem:$0x3FBA] =	sst s10  }
0x38: {  	s10 =	sld [smem:$0x3FBB]  }
0x39: {  	_ = 	snop;
	(pc) =	sbr.ind lr, $3  }
0x3a: {  	_ = 	snop  }
0x3b: {  	_ = 	snop  }
0x3c: {  	p2 =	seq.s32 s10, $0x1;
	s10 =	sld [smem:$0x3FBA]  }
0x3d: {  	_ =	shalt  }
0x3e: {  	_ =	shalt  }
0x3f: {  	_ =	shalt  }
0x40: {  	_ =	shalt  }
0x41: {  	_ =	shalt  }
0x42: {  	_ =	shalt  }
0x43: {  	_ =	shalt  }
0x44: {  	_ =	shalt  }
0x45: {  	_ =	shalt  }
0x46: {  	_ =	shalt  }
0x47: {  	_ =	shalt  }
0x48: {  	_ =	shalt  }
0x49: {  	_ =	shalt  }
0x4a: {  	_ =	shalt  }
0x4b: {  	_ =	shalt  }
0x4c: {  	_ =	shalt  }
0x4d: {  	_ =	shalt  }
0x4e: {  	_ =	shalt  }
0x4f: {  	_ =	shalt  }
0x50: {  	_ =	shalt  }
0x51: {  	_ =	shalt  }
0x52: {  	_ =	shalt  }
0x53: {  	_ =	shalt  }
0x54: {  	_ =	shalt  }
0x55: {  	_ =	shalt  }
0x56: {  	_ =	shalt  }
0x57: {  	_ =	shalt  }
0x58: {  	_ =	shalt  }
0x59: {  	_ =	shalt  }
0x5a: {  	_ =	shalt  }
0x5b: {  	_ =	shalt  }
0x5c: {  	_ =	shalt  }
0x5d: {  	_ =	shalt  }
0x5e: {  	_ =	shalt  }
0x5f: {  	_ =	shalt  }
0x60: {  	_ =	shalt  }
0x61: {  	_ =	shalt  }
0x62: {  	_ =	shalt  }
0x63: {  	_ =	shalt  }
0x64: {  	_ =	shalt  }
0x65: {  	_ =	shalt  }
0x66: {  	_ =	shalt  }
0x67: {  	_ =	shalt  }
0x68: {  	_ =	shalt  }
0x69: {  	_ =	shalt  }
0x6a: {  	_ =	shalt  }
0x6b: {  	_ =	shalt  }
0x6c: {  	_ =	shalt  }
0x6d: {  	_ =	shalt  }
0x6e: {  	_ =	shalt  }
0x6f: {  	_ =	shalt  }
0x70: {  	_ =	shalt  }
0x71: {  	_ =	shalt  }
0x72: {  	_ =	shalt  }
0x73: {  	_ =	shalt  }
0x74: {  	_ =	shalt  }
0x75: {  	_ =	shalt  }
0x76: {  	_ =	shalt  }
0x77: {  	_ =	shalt  }
0x78: {  	_ =	shalt  }
0x79: {  	_ =	shalt  }
0x7a: {  	_ =	shalt  }
0x7b: {  	_ =	shalt  }
0x7c: {  	_ =	shalt  }
0x7d: {  	_ =	shalt  }
0x7e: {  	_ =	shalt  }
0x7f: {  	_ =	shalt  }
0x80: {  	_ =	shalt  }
0x81: {  	_ =	shalt  }
0x82: {  	_ =	shalt  }
0x83: {  	_ =	shalt  }
0x84: {  	_ =	shalt  }
0x85: {  	_ =	shalt  }
0x86: {  	_ =	shalt  }
0x87: {  	_ =	shalt  }
.Lfunc_end0:
.L_simem_size_0:
called_computation_lowered:
.L_overlay_start_0:
0x88: {  	s2 =	sld [smem:$0x3FD9]  }
0x89: {  	s3 =	sld [smem:$0x3FFE];
	_ =	sdelay $0x1  }
0x8a: {  	s1 =	srdreg.scid  }
0x8b: {  	s0 =	sand.u32 $0x1, s1  }
0x8c: {  	s18 =	sshll.u32 s0, $0xA;
	s2 =	sadd.s32 s3, s2  }
0x8d: {  	s2 =	sadd.s32 s2, s18  }
0x8e: {  	[smem:$0x3FC6] =	sst s2  }
0x8f: {  	_ = 	snop  }
0x90: {  	s2 =	sld [smem:$0x3FC9]  }
0x91: {  	s19 =	sld [smem:$0x3FC8]  }
0x92: {  	s4 =	sld [smem:$0x3FD0];
	(tm) =	ssettm $0x1  }
0x93: {  	s5 =	sld [smem:$0x3FFB];
	_ =	sdelay $0x3  }
0x94: {  	_ =	strace s5  }
0x95: {  	s5 =	sld [smem:$0x3FFC];
	_ =	sdelay $0x3  }
0x96: {  	_ =	strace s5  }
0x97: {  	s5 =	sld [smem:$0x3FFD];
	_ =	sdelay $0x3  }
0x98: {  	_ =	strace s5  }
0x99: {  	_ =	strace $0x8FFFFFFF  }
0x9a: {  	s20 =	sld [smem:$0x3FDB];
	_ =	sdelay $0x1  }
0x9b: {  	s6 =	simm.s32 $_scs_section_size  }
0x9c: {  	s7 =	simm.s32 $_size__tile_overlayer_lowered;
	s8 =	simm.s32 $_tile_overlayer_lowered  }
0x9d: {  	s23 =	simm.s32 $0x1BFF;
	s22 =	sshll.u32 s8, $0x1;
	s5 =	sadd.s32 s6, s20  }
0x9e: {  	s9 =	simm.s32 $0x0;
	s21 =	sshll.u32 s7, $0x1;
	s7 =	sadd.s32 s22, s5  }
0x9f: {  	[timem:s9], [sflag:s23] =	dma.local [hbm:s7], s21  }
0xa0: {  	_ =	swait.ge [sflag:s23], s21  }
0xa1: {  	s6 =	ssub.s32 $0x0, s21;
	[sflag:s23] =	ssyncset.done $0x0  }
0xa2: {  	[sflag:s23] =	ssyncadd.s32 s6;
	_ =	sdelay $0x1  }
0xa3: {  	s24 =	simm.s32 $0x1B8B  }
0xa4: {  	_ =	swait.ge [sflag:s24], $0x1  }
0xa5: {  	[sflag:s24] =	ssyncset.done $0x0  }
0xa6: {  	s25 =	simm.s32 $0x1B8E;
	[sflag:s24] =	ssyncadd.s32 $0xFFFFFFFF  }
0xa7: {  	s26 =	simm.s32 $execute0_lowered;
	[smem:$0x3FD2] =	sst s25  }
0xa8: {  	s6 =	sshll.u32 s26, $0x1;
	_ =	strace $0x80000046;
	[dreg:$0x1] =	wrdreg $0xFFFFFFFF  }
0xa9: {  	s28 =	simm.s32 $_size_execute0_lowered;
	s5 =	sadd.s32 s5, s6;
	[dreg:$0x0] =	wrdreg $0x0  }
0xaa: {  	s6 =	sshll.u32 s28, $0x1;
	[dreg:$0x2] =	wrdreg s5  }
0xab: {  	[dreg:$0x3] =	wrdreg s6  }
0xac: {  	[dreg:$0x4] =	wrdreg $0xC0  }
0xad: {  	_ =	task [dreg:s9], $0x5FFFF  }
0xae: {  	[dreg:$0x1] =	wrdreg $0xFFFFFFFF  }
0xaf: {  	[dreg:$0x0] =	wrdreg $0x60  }
0xb0: {  	[dreg:$0x2] =	wrdreg s2  }
0xb1: {  	[dreg:$0x3] =	wrdreg s19  }
0xb2: {  	[dreg:$0x4] =	wrdreg s4  }
0xb3: {  	[dreg:$0x5] =	wrdreg $0x9  }
0xb4: {  	_ =	task.clear_ibuf [dreg:s9], $0x6FFFF;
	_ =	strace $0x90000046  }
0xb5: {  	s29 =	simm.s32 $0x9;
	_ =	strace $0x80000048  }
0xb6: {  	_ =	swait.ge [sflag:s29], $0x1  }
0xb7: {  	[sflag:s29] =	ssyncadd.s32 $0xFFFFFFFF  }
0xb8: {  	_ =	strace $0x90000048  }
0xb9: {  	_ =	sfence  }
0xba: {  	s30 =	sld [smem:$0x0];
	_ =	sdelay $0x2  }
0xbb: {  	s31 =	sshll.u32 s1, $0xD;
	s1 =	sshrl.u32 s1, $0x2  }
0xbc: {  	s3 =	sand.u32 $0x4000, s31;
	s1 =	sadd.s32 s1, s30  }
0xbd: {  	s0 =	sor.u32 s3, s0;
	s1 =	sshll.u32 s1, $0x11  }
0xbe: {  	s0 =	sor.u32 s1, s0  }
0xbf: {  	s0 =	sadd.s32 $0x8F2B, s0  }
0xc0: {  	[sflag:s0] =	ssyncadd.remote.s32 $0x1  }
0xc1: {  	_ =	sfence.sel $0xFFFF  }
0xc2: {  	[dreg:$0x0] =	wrdreg $0xFFFFFFFF;
	(pc) =	sbr.abs _section_cstart, $3  }
0xc3: {  	[dreg:$0x1] =	wrdreg $0xFFFFFFFF  }
0xc4: {  	_ =	task.clear_ibuf [dreg:s9], $0x2FFFF;
	_ =	strace $0x9FFFFFFF  }
0xc5: {  	(tm) =	ssettm $0x7FFFFFFF  }
tec
execute0_lowered:
.L_overlay_start_1:
0x0: {  	(tag) =	ssettag $0x1  }
0x1: {  	s0 =	rddreg [dreg:$0x0]  }
0x2: {  	s1 =	rddreg [dreg:$0x1]  }
0x3: {  	s2 =	rddreg [dreg:$0x2]  }
0x4: {  	s4 =	srdreg.scid;
	s3 =	simm.s32 $0x0;
	s5 =	stileid.u32  }
0x5: {  	s31 =	simm.s32 $0x70;
	s10 =	simm.s32 $0x2;
	s12 =	simm.s32 $0x5  }
0x6: {  	s13 =	simm.s32 $0x3;
	s14 =	simm.s32 $0x6;
	s4 =	sand.u32 $0x1, s4  }
0x7: {  	[smem:$0x7FF] =	sst s3;
	s5 =	sshll.u32 s5, $0x7;
	s6 =	sshll.u32 s4, $0x6  }
0x8: {  	_ =	strace $0x80000047;
	[dreg:$0xf] =	wrdreg s31;
	s5 =	sor.u32 s6, s5  }
0x9: {  	s6 =	sadd.s32 s0, s5;
	s7 =	sor.u32 $0xE, s5;
	s8 =	smul.u32 $0x300, s5  }
0xa: {  	s5 =	smul.u32 $0x1800, s5;
	[dreg:$0x4] =	wrdreg s6;
	s0 =	sadd.s32 s0, s7  }
0xb: {  	s18 =	smul.u32 $0x300, s7;
	s19 =	sadd.s32 s2, s8;
	[dreg:$0x5] =	wrdreg s0  }
0xc: {  	s4 =	ssub.s32 $0x2, s4;
	s20 =	sadd.s32 $0x1500, s19;
	[dreg:$0x10] =	wrdreg s19  }
0xd: {  	s5 =	sshrl.u32 s5, $0x3;
	s21 =	sadd.s32 s2, s18;
	[dreg:$0x6] =	wrdreg s20  }
0xe: {  	s22 =	sadd.s32 $0x3F00, s19;
	s2 =	sadd.s32 s2, s5;
	[dreg:$0x7] =	wrdreg s21  }
0xf: {  	s26 =	sshrl.u32 s4, $0x1;
	[dreg:$0x8] =	wrdreg s22;
	s23 =	sadd.s32 $0x5400, s2  }
0x10: {  	s4 =	ssub.s32 s4, s26;
	s24 =	sadd.s32 $0x6900, s2;
	[dreg:$0x9] =	wrdreg s23  }
0x11: {  	s6 =	sadd.s32 $0x200, s1;
	s25 =	sadd.s32 $0x7E00, s2;
	[dreg:$0xa] =	wrdreg s24  }
0x12: {  	s7 =	smax.u32 s4, $0x1;
	s28 =	sadd.s32 $0x9300, s2;
	[dreg:$0xb] =	wrdreg s25  }
0x13: {  	v2 =	vlaneseq.u32;
	s4 =	simm.s32 $0x200;
	s29 =	sadd.s32 $0xA800, s2;
	[dreg:$0xc] =	wrdreg s28  }
0x14: {  	vm0 =	vmmov $0xffff;
	v1 =	vshrl.u32 v2, $0x3;
	s0 =	simm.s32 $0x1;
	s30 =	sadd.s32 $0xBD00, s2;
	[dreg:$0xd] =	wrdreg s29  }
0x15: {  	v0 =	vand.u32 $0x7, v2;
	v2 =	vor.u32 $0x8, v2;
	v1 =	vmul.u32 $0x8, v1;
	s5 =	sadd.s32 $0x100, s1;
	s2 =	simm.s32 $0x4;
	[dreg:$0xe] =	wrdreg s30  }
.LBB2_1:
0x16: {  	s15 =	rddreg [dreg:$0x4];
	s31 =	simm.s32 $0x7  }
0x17: {  	[tilespmem:s3], [sflag:$0x7] =	stream.linear.gather [hbm4b:s15+s3], $0x70, $0x38;
	[tilespmem:$0x1FA00] =	vst v63  }
0x18: {  	_ =	swait.ge [sflag:s31], $0x70  }
0x19: {  	[sflag:s31] =	ssyncset.done $0x0  }
0x1a: {  	[sflag:s31] =	ssyncadd.s32 $0xFFFFFF90  }
0x1b: {  	v3 =	vld [tilespmem:$0x0];
	_ =	sdelay $0x4  }
0x1c: {  	v4 =	vshrl.u32 v3, $0x3  }
0x1d: {  	v4 =	vmul.u32 $0x30, v4  }
0x1e: {  	v3 =	vand.u32 $0x7, v3  }
0x1f: {  	v3 =	vor.u32 v3, v4  }
0x20: {  	v4 =	vperm.xlane v3, v0;
	_ =	sdelay $0x1  }
0x21: {  	v4 =	vadd.s32 v1, v4;
	_ =	sdelay $0x3  }
0x22: {  	v3 =	vperm.xlane v3, v2  }
0x23: {  	[tilespmem:s4], [sflag:$0x1] =	stream.indirect_vreg.gather [hbm4b:s1+s3], $0x80, v4, vm0, $0xb8;
	[tilespmem:$0x1FA00] =	vst v63  }
0x24: {  	s8 =	simm.s32 $0xA00;
	v3 =	vadd.s32 v1, v3  }
0x25: {  	[tilespmem:s8], [sflag:$0x1] =	stream.indirect_vreg.gather [hbm4b:s5+s3], $0x80, v4, vm0, $0xb8;
	[tilespmem:$0x1FA00] =	vst v63  }
0x26: {  	s19 =	simm.s32 $0x1200  }
0x27: {  	[tilespmem:s19], [sflag:$0x1] =	stream.indirect_vreg.gather [hbm4b:s6+s3], $0x80, v4, vm0, $0xb8;
	[tilespmem:$0x1FA00] =	vst v63  }
0x28: {  	s20 =	simm.s32 $0x1A00  }
0x29: {  	[tilespmem:s20], [sflag:$0x1] =	stream.indirect_vreg.gather [hbm4b:s1+s3], $0x80, v3, vm0, $0xb8;
	[tilespmem:$0x1FA00] =	vst v63  }
0x2a: {  	s21 =	simm.s32 $0x2200  }
0x2b: {  	[tilespmem:s21], [sflag:$0x1] =	stream.indirect_vreg.gather [hbm4b:s5+s3], $0x80, v3, vm0, $0xb8;
	[tilespmem:$0x1FA00] =	vst v63  }
0x2c: {  	s22 =	simm.s32 $0x2A00  }
0x2d: {  	[tilespmem:s22], [sflag:$0x1] =	stream.indirect_vreg.gather [hbm4b:s6+s3], $0x80, v3, vm0, $0xb8;
	[tilespmem:$0x1FA00] =	vst v63  }
0x2e: {  	v3 =	vld [tilespmem:$0x10];
	_ =	sdelay $0x4  }
0x2f: {  	v28 =	vshrl.u32 v3, $0x3  }
0x30: {  	v4 =	vmul.u32 $0x30, v28  }
0x31: {  	v3 =	vand.u32 $0x7, v3  }
0x32: {  	v3 =	vor.u32 v3, v4  }
0x33: {  	v4 =	vperm.xlane v3, v0;
	_ =	sdelay $0x1  }
0x34: {  	v4 =	vadd.s32 v1, v4;
	_ =	sdelay $0x3  }
0x35: {  	s23 =	simm.s32 $0x3200;
	v3 =	vperm.xlane v3, v2  }
0x36: {  	[tilespmem:s23], [sflag:$0x1] =	stream.indirect_vreg.gather [hbm4b:s1+s3], $0x80, v4, vm0, $0xb8;
	[tilespmem:$0x1FA00] =	vst v63  }
0x37: {  	s24 =	simm.s32 $0x3A00;
	v3 =	vadd.s32 v1, v3  }
0x38: {  	[tilespmem:s24], [sflag:$0x1] =	stream.indirect_vreg.gather [hbm4b:s5+s3], $0x80, v4, vm0, $0xb8;
	[tilespmem:$0x1FA00] =	vst v63  }
0x39: {  	s26 =	simm.s32 $0x4200  }
0x3a: {  	[tilespmem:s26], [sflag:$0x1] =	stream.indirect_vreg.gather [hbm4b:s6+s3], $0x80, v4, vm0, $0xb8;
	[tilespmem:$0x1FA00] =	vst v63  }
0x3b: {  	s28 =	simm.s32 $0x4A00  }
0x3c: {  	[tilespmem:s28], [sflag:$0x1] =	stream.indirect_vreg.gather [hbm4b:s1+s3], $0x80, v3, vm0, $0xb8;
	[tilespmem:$0x1FA00] =	vst v63  }
0x3d: {  	s30 =	simm.s32 $0x5200  }
0x3e: {  	[tilespmem:s30], [sflag:$0x1] =	stream.indirect_vreg.gather [hbm4b:s5+s3], $0x80, v3, vm0, $0xb8;
	[tilespmem:$0x1FA00] =	vst v63  }
0x3f: {  	s9 =	simm.s32 $0x5A00  }
0x40: {  	[tilespmem:s9], [sflag:$0x1] =	stream.indirect_vreg.gather [hbm4b:s6+s3], $0x80, v3, vm0, $0xb8;
	[tilespmem:$0x1FA00] =	vst v63  }
0x41: {  	v3 =	vld [tilespmem:$0x20];
	_ =	sdelay $0x4  }
0x42: {  	v29 =	vshrl.u32 v3, $0x3  }
0x43: {  	v4 =	vmul.u32 $0x30, v29  }
0x44: {  	v3 =	vand.u32 $0x7, v3  }
0x45: {  	v3 =	vor.u32 v3, v4  }
0x46: {  	v4 =	vperm.xlane v3, v0;
	_ =	sdelay $0x1  }
0x47: {  	v4 =	vadd.s32 v1, v4;
	_ =	sdelay $0x3  }
0x48: {  	s15 =	simm.s32 $0x6200;
	v3 =	vperm.xlane v3, v2  }
0x49: {  	[tilespmem:s15], [sflag:$0x1] =	stream.indirect_vreg.gather [hbm4b:s1+s3], $0x80, v4, vm0, $0xb8;
	[tilespmem:$0x1FA00] =	vst v63  }
0x4a: {  	s16 =	simm.s32 $0x6A00;
	v3 =	vadd.s32 v1, v3  }
0x4b: {  	[tilespmem:s16], [sflag:$0x1] =	stream.indirect_vreg.gather [hbm4b:s5+s3], $0x80, v4, vm0, $0xb8;
	[tilespmem:$0x1FA00] =	vst v63  }
0x4c: {  	s20 =	simm.s32 $0x7200  }
0x4d: {  	[tilespmem:s20], [sflag:$0x1] =	stream.indirect_vreg.gather [hbm4b:s6+s3], $0x80, v4, vm0, $0xb8;
	[tilespmem:$0x1FA00] =	vst v63  }
0x4e: {  	s21 =	simm.s32 $0x7A00  }
0x4f: {  	[tilespmem:s21], [sflag:$0x1] =	stream.indirect_vreg.gather [hbm4b:s1+s3], $0x80, v3, vm0, $0xb8;
	[tilespmem:$0x1FA00] =	vst v63  }
0x50: {  	s24 =	simm.s32 $0x8200  }
0x51: {  	[tilespmem:s24], [sflag:$0x1] =	stream.indirect_vreg.gather [hbm4b:s5+s3], $0x80, v3, vm0, $0xb8;
	[tilespmem:$0x1FA00] =	vst v63  }
0x52: {  	s9 =	simm.s32 $0x8A00  }
0x53: {  	[tilespmem:s9], [sflag:$0x1] =	stream.indirect_vreg.gather [hbm4b:s6+s3], $0x80, v3, vm0, $0xb8;
	[tilespmem:$0x1FA00] =	vst v63  }
0x54: {  	v3 =	vld.msk [tilespmem:$0x30], $0xff;
	_ =	sdelay $0x4  }
0x55: {  	v30 =	vshrl.u32 v3, $0x3  }
0x56: {  	v4 =	vmul.u32 $0x30, v30  }
0x57: {  	v3 =	vand.u32 $0x7, v3  }
0x58: {  	v3 =	vor.u32 v3, v4  }
0x59: {  	v3 =	vperm.xlane v3, v0;
	_ =	sdelay $0x1  }
0x5a: {  	v3 =	vadd.s32 v1, v3;
	_ =	sdelay $0x3  }
0x5b: {  	s15 =	simm.s32 $0x9200  }
0x5c: {  	[tilespmem:s15], [sflag:$0x1] =	stream.indirect_vreg.gather [hbm4b:s1+s3], $0x80, v3, vm0, $0xb8;
	[tilespmem:$0x1FA00] =	vst v63  }
0x5d: {  	s16 =	simm.s32 $0x9A00  }
0x5e: {  	[tilespmem:s16], [sflag:$0x1] =	stream.indirect_vreg.gather [hbm4b:s5+s3], $0x80, v3, vm0, $0xb8;
	[tilespmem:$0x1FA00] =	vst v63  }
0x5f: {  	s21 =	simm.s32 $0xA200  }
0x60: {  	[tilespmem:s21], [sflag:$0x1] =	stream.indirect_vreg.gather [hbm4b:s6+s3], $0x80, v3, vm0, $0xb8;
	[tilespmem:$0x1FA00] =	vst v63  }
0x61: {  	v3 =	vld [tilespmem:$0x38];
	_ =	sdelay $0x4  }
0x62: {  	v31 =	vshrl.u32 v3, $0x3  }
0x63: {  	v4 =	vmul.u32 $0x30, v31  }
0x64: {  	v3 =	vand.u32 $0x7, v3  }
0x65: {  	v3 =	vor.u32 v3, v4  }
0x66: {  	v4 =	vperm.xlane v3, v0;
	_ =	sdelay $0x1  }
0x67: {  	v4 =	vadd.s32 v1, v4;
	_ =	sdelay $0x3  }
0x68: {  	s9 =	simm.s32 $0xAA00;
	v3 =	vperm.xlane v3, v2  }
0x69: {  	[tilespmem:s9], [sflag:$0x2] =	stream.indirect_vreg.gather [hbm4b:s1+s3], $0x80, v4, vm0, $0xb8;
	[tilespmem:$0x1FA00] =	vst v63  }
0x6a: {  	v3 =	vadd.s32 v1, v3;
	s9 =	simm.s32 $0xB200  }
0x6b: {  	[tilespmem:s9], [sflag:$0x2] =	stream.indirect_vreg.gather [hbm4b:s5+s3], $0x80, v4, vm0, $0xb8;
	[tilespmem:$0x1FA00] =	vst v63  }
0x6c: {  	s15 =	simm.s32 $0xBA00  }
0x6d: {  	[tilespmem:s15], [sflag:$0x2] =	stream.indirect_vreg.gather [hbm4b:s6+s3], $0x80, v4, vm0, $0xb8;
	[tilespmem:$0x1FA00] =	vst v63  }
0x6e: {  	s16 =	simm.s32 $0xC200  }
0x6f: {  	[tilespmem:s16], [sflag:$0x2] =	stream.indirect_vreg.gather [hbm4b:s1+s3], $0x80, v3, vm0, $0xb8;
	[tilespmem:$0x1FA00] =	vst v63  }
0x70: {  	s8 =	simm.s32 $0xCA00  }
0x71: {  	[tilespmem:s8], [sflag:$0x2] =	stream.indirect_vreg.gather [hbm4b:s5+s3], $0x80, v3, vm0, $0xb8;
	[tilespmem:$0x1FA00] =	vst v63  }
0x72: {  	s15 =	simm.s32 $0xD200  }
0x73: {  	[tilespmem:s15], [sflag:$0x2] =	stream.indirect_vreg.gather [hbm4b:s6+s3], $0x80, v3, vm0, $0xb8;
	[tilespmem:$0x1FA00] =	vst v63  }
0x74: {  	v3 =	vld [tilespmem:$0x48];
	_ =	sdelay $0x4  }
0x75: {  	v32 =	vshrl.u32 v3, $0x3  }
0x76: {  	v4 =	vmul.u32 $0x30, v32  }
0x77: {  	v3 =	vand.u32 $0x7, v3  }
0x78: {  	v3 =	vor.u32 v3, v4  }
0x79: {  	v4 =	vperm.xlane v3, v0;
	_ =	sdelay $0x1  }
0x7a: {  	v4 =	vadd.s32 v1, v4;
	_ =	sdelay $0x3  }
0x7b: {  	s16 =	simm.s32 $0xDA00;
	v3 =	vperm.xlane v3, v2  }
0x7c: {  	[tilespmem:s16], [sflag:$0x2] =	stream.indirect_vreg.gather [hbm4b:s1+s3], $0x80, v4, vm0, $0xb8;
	[tilespmem:$0x1FA00] =	vst v63  }
0x7d: {  	s8 =	simm.s32 $0xE200;
	v3 =	vadd.s32 v1, v3  }
0x7e: {  	[tilespmem:s8], [sflag:$0x2] =	stream.indirect_vreg.gather [hbm4b:s5+s3], $0x80, v4, vm0, $0xb8;
	[tilespmem:$0x1FA00] =	vst v63  }
0x7f: {  	s15 =	simm.s32 $0xEA00  }
0x80: {  	[tilespmem:s15], [sflag:$0x2] =	stream.indirect_vreg.gather [hbm4b:s6+s3], $0x80, v4, vm0, $0xb8;
	[tilespmem:$0x1FA00] =	vst v63  }
0x81: {  	s16 =	simm.s32 $0xF200  }
0x82: {  	[tilespmem:s16], [sflag:$0x2] =	stream.indirect_vreg.gather [hbm4b:s1+s3], $0x80, v3, vm0, $0xb8;
	[tilespmem:$0x1FA00] =	vst v63  }
0x83: {  	s8 =	simm.s32 $0xFA00  }
0x84: {  	[tilespmem:s8], [sflag:$0x2] =	stream.indirect_vreg.gather [hbm4b:s5+s3], $0x80, v3, vm0, $0xb8;
	[tilespmem:$0x1FA00] =	vst v63  }
0x85: {  	s15 =	simm.s32 $0x10200  }
0x86: {  	[tilespmem:s15], [sflag:$0x2] =	stream.indirect_vreg.gather [hbm4b:s6+s3], $0x80, v3, vm0, $0xb8;
	[tilespmem:$0x1FA00] =	vst v63  }
0x87: {  	v3 =	vld [tilespmem:$0x58];
	_ =	sdelay $0x4  }
0x88: {  	v33 =	vshrl.u32 v3, $0x3  }
0x89: {  	v4 =	vmul.u32 $0x30, v33  }
0x8a: {  	v3 =	vand.u32 $0x7, v3  }
0x8b: {  	v3 =	vor.u32 v3, v4  }
0x8c: {  	v4 =	vperm.xlane v3, v0;
	_ =	sdelay $0x1  }
0x8d: {  	v4 =	vadd.s32 v1, v4;
	_ =	sdelay $0x3  }
0x8e: {  	s16 =	simm.s32 $0x10A00;
	v3 =	vperm.xlane v3, v2  }
0x8f: {  	[tilespmem:s16], [sflag:$0x2] =	stream.indirect_vreg.gather [hbm4b:s1+s3], $0x80, v4, vm0, $0xb8;
	[tilespmem:$0x1FA00] =	vst v63  }
0x90: {  	s8 =	simm.s32 $0x11200;
	v3 =	vadd.s32 v1, v3  }
0x91: {  	[tilespmem:s8], [sflag:$0x2] =	stream.indirect_vreg.gather [hbm4b:s5+s3], $0x80, v4, vm0, $0xb8;
	[tilespmem:$0x1FA00] =	vst v63  }
0x92: {  	s15 =	simm.s32 $0x11A00  }
0x93: {  	[tilespmem:s15], [sflag:$0x2] =	stream.indirect_vreg.gather [hbm4b:s6+s3], $0x80, v4, vm0, $0xb8;
	[tilespmem:$0x1FA00] =	vst v63  }
0x94: {  	s16 =	simm.s32 $0x12200  }
0x95: {  	[tilespmem:s16], [sflag:$0x2] =	stream.indirect_vreg.gather [hbm4b:s1+s3], $0x80, v3, vm0, $0xb8;
	[tilespmem:$0x1FA00] =	vst v63  }
0x96: {  	s8 =	simm.s32 $0x12A00  }
0x97: {  	[tilespmem:s8], [sflag:$0x2] =	stream.indirect_vreg.gather [hbm4b:s5+s3], $0x80, v3, vm0, $0xb8;
	[tilespmem:$0x1FA00] =	vst v63  }
0x98: {  	s15 =	simm.s32 $0x13200  }
0x99: {  	[tilespmem:s15], [sflag:$0x2] =	stream.indirect_vreg.gather [hbm4b:s6+s3], $0x80, v3, vm0, $0xb8;
	[tilespmem:$0x1FA00] =	vst v63  }
0x9a: {  	v3 =	vld.msk [tilespmem:$0x68], $0xff;
	_ =	sdelay $0x4  }
0x9b: {  	v34 =	vshrl.u32 v3, $0x3  }
0x9c: {  	v4 =	vmul.u32 $0x30, v34  }
0x9d: {  	v3 =	vand.u32 $0x7, v3  }
0x9e: {  	v3 =	vor.u32 v3, v4  }
0x9f: {  	v3 =	vperm.xlane v3, v0;
	_ =	sdelay $0x1  }
0xa0: {  	v3 =	vadd.s32 v1, v3;
	_ =	sdelay $0x3  }
0xa1: {  	s16 =	simm.s32 $0x13A00  }
0xa2: {  	[tilespmem:s16], [sflag:$0x2] =	stream.indirect_vreg.gather [hbm4b:s1+s3], $0x80, v3, vm0, $0xb8;
	[tilespmem:$0x1FA00] =	vst v63  }
0xa3: {  	s8 =	simm.s32 $0x14200  }
0xa4: {  	[tilespmem:s8], [sflag:$0x2] =	stream.indirect_vreg.gather [hbm4b:s5+s3], $0x80, v3, vm0, $0xb8;
	[tilespmem:$0x1FA00] =	vst v63  }
0xa5: {  	s9 =	simm.s32 $0x14A00;
	s15 =	rddreg [dreg:$0x5]  }
0xa6: {  	[tilespmem:s9], [sflag:$0x2] =	stream.indirect_vreg.gather [hbm4b:s6+s3], $0x80, v3, vm0, $0xb8;
	[tilespmem:$0x1FA00] =	vst v63  }
0xa7: {  	s16 =	rddreg [dreg:$0xf]  }
0xa8: {  	[tilespmem:s16], [sflag:$0x7] =	stream.linear.gather [hbm4b:s15+s3], $0x190, $0x38;
	[tilespmem:$0x1FA00] =	vst v63  }
0xa9: {  	_ =	swait.ge [sflag:s31], $0x190  }
0xaa: {  	[sflag:s31] =	ssyncset.done $0x0  }
0xab: {  	[sflag:s31] =	ssyncadd.s32 $0xFFFFFE70  }
0xac: {  	v3 =	vld [tilespmem:$0x70];
	_ =	sdelay $0x4  }
0xad: {  	v35 =	vshrl.u32 v3, $0x3  }
0xae: {  	v4 =	vmul.u32 $0x30, v35  }
0xaf: {  	v3 =	vand.u32 $0x7, v3  }
0xb0: {  	v3 =	vor.u32 v3, v4  }
0xb1: {  	v4 =	vperm.xlane v3, v0;
	_ =	sdelay $0x1  }
0xb2: {  	v4 =	vadd.s32 v1, v4;
	_ =	sdelay $0x3  }
0xb3: {  	s16 =	simm.s32 $0x15200;
	v3 =	vperm.xlane v3, v2  }
0xb4: {  	[tilespmem:s16], [sflag:$0x3] =	stream.indirect_vreg.gather [hbm4b:s1+s3], $0x80, v4, vm0, $0xb8;
	[tilespmem:$0x1FA00] =	vst v63  }
0xb5: {  	s31 =	simm.s32 $0x15A00;
	v3 =	vadd.s32 v1, v3  }
0xb6: {  	[tilespmem:s31], [sflag:$0x3] =	stream.indirect_vreg.gather [hbm4b:s5+s3], $0x80, v4, vm0, $0xb8;
	[tilespmem:$0x1FA00] =	vst v63  }
0xb7: {  	s8 =	simm.s32 $0x16200  }
0xb8: {  	[tilespmem:s8], [sflag:$0x3] =	stream.indirect_vreg.gather [hbm4b:s6+s3], $0x80, v4, vm0, $0xb8;
	[tilespmem:$0x1FA00] =	vst v63  }
0xb9: {  	s15 =	simm.s32 $0x16A00  }
0xba: {  	[tilespmem:s15], [sflag:$0x3] =	stream.indirect_vreg.gather [hbm4b:s1+s3], $0x80, v3, vm0, $0xb8;
	[tilespmem:$0x1FA00] =	vst v63  }
0xbb: {  	s31 =	simm.s32 $0x17200  }
0xbc: {  	[tilespmem:s31], [sflag:$0x3] =	stream.indirect_vreg.gather [hbm4b:s5+s3], $0x80, v3, vm0, $0xb8;
	[tilespmem:$0x1FA00] =	vst v63  }
0xbd: {  	s8 =	simm.s32 $0x17A00  }
0xbe: {  	[tilespmem:s8], [sflag:$0x3] =	stream.indirect_vreg.gather [hbm4b:s6+s3], $0x80, v3, vm0, $0xb8;
	[tilespmem:$0x1FA00] =	vst v63  }
0xbf: {  	v3 =	vld [tilespmem:$0x80];
	_ =	sdelay $0x4  }
0xc0: {  	v36 =	vshrl.u32 v3, $0x3  }
0xc1: {  	v4 =	vmul.u32 $0x30, v36  }
0xc2: {  	v3 =	vand.u32 $0x7, v3  }
0xc3: {  	v3 =	vor.u32 v3, v4  }
0xc4: {  	v4 =	vperm.xlane v3, v0;
	_ =	sdelay $0x1  }
0xc5: {  	v4 =	vadd.s32 v1, v4;
	_ =	sdelay $0x3  }
0xc6: {  	s15 =	simm.s32 $0x18200;
	v3 =	vperm.xlane v3, v2  }
0xc7: {  	[tilespmem:s15], [sflag:$0x3] =	stream.indirect_vreg.gather [hbm4b:s1+s3], $0x80, v4, vm0, $0xb8;
	[tilespmem:$0x1FA00] =	vst v63  }
0xc8: {  	s31 =	simm.s32 $0x18A00;
	v3 =	vadd.s32 v1, v3  }
0xc9: {  	[tilespmem:s31], [sflag:$0x3] =	stream.indirect_vreg.gather [hbm4b:s5+s3], $0x80, v4, vm0, $0xb8;
	[tilespmem:$0x1FA00] =	vst v63  }
0xca: {  	s8 =	simm.s32 $0x19200  }
0xcb: {  	[tilespmem:s8], [sflag:$0x3] =	stream.indirect_vreg.gather [hbm4b:s6+s3], $0x80, v4, vm0, $0xb8;
	[tilespmem:$0x1FA00] =	vst v63  }
0xcc: {  	s15 =	simm.s32 $0x19A00  }
0xcd: {  	[tilespmem:s15], [sflag:$0x3] =	stream.indirect_vreg.gather [hbm4b:s1+s3], $0x80, v3, vm0, $0xb8;
	[tilespmem:$0x1FA00] =	vst v63  }
0xce: {  	s31 =	simm.s32 $0x1A200  }
0xcf: {  	[tilespmem:s31], [sflag:$0x3] =	stream.indirect_vreg.gather [hbm4b:s5+s3], $0x80, v3, vm0, $0xb8;
	[tilespmem:$0x1FA00] =	vst v63  }
0xd0: {  	s8 =	simm.s32 $0x1AA00  }
0xd1: {  	[tilespmem:s8], [sflag:$0x3] =	stream.indirect_vreg.gather [hbm4b:s6+s3], $0x80, v3, vm0, $0xb8;
	[tilespmem:$0x1FA00] =	vst v63  }
0xd2: {  	v3 =	vld [tilespmem:$0x90];
	_ =	sdelay $0x4  }
0xd3: {  	v37 =	vshrl.u32 v3, $0x3  }
0xd4: {  	v4 =	vmul.u32 $0x30, v37  }
0xd5: {  	v3 =	vand.u32 $0x7, v3  }
0xd6: {  	v3 =	vor.u32 v3, v4  }
0xd7: {  	v4 =	vperm.xlane v3, v0;
	_ =	sdelay $0x1  }
0xd8: {  	v4 =	vadd.s32 v1, v4;
	_ =	sdelay $0x3  }
0xd9: {  	s15 =	simm.s32 $0x1B200;
	v3 =	vperm.xlane v3, v2  }
0xda: {  	[tilespmem:s15], [sflag:$0x3] =	stream.indirect_vreg.gather [hbm4b:s1+s3], $0x80, v4, vm0, $0xb8;
	[tilespmem:$0x1FA00] =	vst v63  }
0xdb: {  	s31 =	simm.s32 $0x1BA00;
	v3 =	vadd.s32 v1, v3  }
0xdc: {  	[tilespmem:s31], [sflag:$0x3] =	stream.indirect_vreg.gather [hbm4b:s5+s3], $0x80, v4, vm0, $0xb8;
	[tilespmem:$0x1FA00] =	vst v63  }
0xdd: {  	s8 =	simm.s32 $0x1C200  }
0xde: {  	[tilespmem:s8], [sflag:$0x3] =	stream.indirect_vreg.gather [hbm4b:s6+s3], $0x80, v4, vm0, $0xb8;
	[tilespmem:$0x1FA00] =	vst v63  }
0xdf: {  	s15 =	simm.s32 $0x1CA00  }
0xe0: {  	[tilespmem:s15], [sflag:$0x3] =	stream.indirect_vreg.gather [hbm4b:s1+s3], $0x80, v3, vm0, $0xb8;
	[tilespmem:$0x1FA00] =	vst v63  }
0xe1: {  	s31 =	simm.s32 $0x1D200  }
0xe2: {  	[tilespmem:s31], [sflag:$0x3] =	stream.indirect_vreg.gather [hbm4b:s5+s3], $0x80, v3, vm0, $0xb8;
	[tilespmem:$0x1FA00] =	vst v63  }
0xe3: {  	s8 =	simm.s32 $0x1DA00  }
0xe4: {  	[tilespmem:s8], [sflag:$0x3] =	stream.indirect_vreg.gather [hbm4b:s6+s3], $0x80, v3, vm0, $0xb8;
	[tilespmem:$0x1FA00] =	vst v63  }
0xe5: {  	v3 =	vld.msk [tilespmem:$0xA0], $0xff;
	_ =	sdelay $0x4  }
0xe6: {  	v38 =	vshrl.u32 v3, $0x3  }
0xe7: {  	v4 =	vmul.u32 $0x30, v38  }
0xe8: {  	v3 =	vand.u32 $0x7, v3  }
0xe9: {  	v3 =	vor.u32 v3, v4  }
0xea: {  	v3 =	vperm.xlane v3, v0;
	_ =	sdelay $0x1  }
0xeb: {  	v3 =	vadd.s32 v1, v3;
	_ =	sdelay $0x3  }
0xec: {  	s15 =	simm.s32 $0x1E200  }
0xed: {  	[tilespmem:s15], [sflag:$0x3] =	stream.indirect_vreg.gather [hbm4b:s1+s3], $0x80, v3, vm0, $0xb8;
	[tilespmem:$0x1FA00] =	vst v63  }
0xee: {  	s31 =	simm.s32 $0x1EA00  }
0xef: {  	[tilespmem:s31], [sflag:$0x3] =	stream.indirect_vreg.gather [hbm4b:s5+s3], $0x80, v3, vm0, $0xb8;
	[tilespmem:$0x1FA00] =	vst v63  }
0xf0: {  	s8 =	simm.s32 $0x1F200  }
0xf1: {  	[tilespmem:s8], [sflag:$0x3] =	stream.indirect_vreg.gather [hbm4b:s6+s3], $0x80, v3, vm0, $0xb8;
	[tilespmem:$0x1FA00] =	vst v63  }
0xf2: {  	_ =	swait.ge [sflag:s0], $0xA800  }
0xf3: {  	[sflag:s0] =	ssyncset.done $0x0  }
0xf4: {  	s9 =	rddreg [dreg:$0x10];
	[sflag:s0] =	ssyncadd.s32 $0xFFFF5800  }
0xf5: {  	[hbm4b:s9+s3] =	stream.linear.scatter [tilespmem:s4], [sflag:$0x4], $0xA800, $0x38;
	[tilespmem:$0x1FA00] =	vst v63  }
0xf6: {  	_ =	swait.ge [sflag:s2], $0xA800  }
0xf7: {  	[sflag:s2] =	ssyncset.done $0x0  }
0xf8: {  	[sflag:s2] =	ssyncadd.s32 $0xFFFF5800  }
0xf9: {  	v3 =	vld [tilespmem:$0xA8];
	_ =	sdelay $0x4  }
0xfa: {  	v39 =	vshrl.u32 v3, $0x3  }
0xfb: {  	v4 =	vmul.u32 $0x30, v39  }
0xfc: {  	v3 =	vand.u32 $0x7, v3  }
0xfd: {  	v3 =	vor.u32 v3, v4  }
0xfe: {  	v4 =	vperm.xlane v3, v0;
	_ =	sdelay $0x1  }
0xff: {  	v4 =	vadd.s32 v1, v4;
	_ =	sdelay $0x3  }
0x100: {  	v3 =	vperm.xlane v3, v2  }
0x101: {  	[tilespmem:s4], [sflag:$0x1] =	stream.indirect_vreg.gather [hbm4b:s1+s3], $0x80, v4, vm0, $0xb8;
	[tilespmem:$0x1FA00] =	vst v63  }
0x102: {  	s9 =	simm.s32 $0xA00;
	v3 =	vadd.s32 v1, v3  }
0x103: {  	[tilespmem:s9], [sflag:$0x1] =	stream.indirect_vreg.gather [hbm4b:s5+s3], $0x80, v4, vm0, $0xb8;
	[tilespmem:$0x1FA00] =	vst v63  }
0x104: {  	s8 =	simm.s32 $0x1200  }
0x105: {  	[tilespmem:s8], [sflag:$0x1] =	stream.indirect_vreg.gather [hbm4b:s6+s3], $0x80, v4, vm0, $0xb8;
	[tilespmem:$0x1FA00] =	vst v63  }
0x106: {  	s25 =	simm.s32 $0x1A00  }
0x107: {  	[tilespmem:s25], [sflag:$0x1] =	stream.indirect_vreg.gather [hbm4b:s1+s3], $0x80, v3, vm0, $0xb8;
	[tilespmem:$0x1FA00] =	vst v63  }
0x108: {  	s29 =	simm.s32 $0x2200  }
0x109: {  	[tilespmem:s29], [sflag:$0x1] =	stream.indirect_vreg.gather [hbm4b:s5+s3], $0x80, v3, vm0, $0xb8;
	[tilespmem:$0x1FA00] =	vst v63  }
0x10a: {  	s11 =	simm.s32 $0x2A00  }
0x10b: {  	[tilespmem:s11], [sflag:$0x1] =	stream.indirect_vreg.gather [hbm4b:s6+s3], $0x80, v3, vm0, $0xb8;
	[tilespmem:$0x1FA00] =	vst v63  }
0x10c: {  	v3 =	vld [tilespmem:$0xB8];
	_ =	sdelay $0x4  }
0x10d: {  	v40 =	vshrl.u32 v3, $0x3  }
0x10e: {  	v4 =	vmul.u32 $0x30, v40  }
0x10f: {  	v3 =	vand.u32 $0x7, v3  }
0x110: {  	v3 =	vor.u32 v3, v4  }
0x111: {  	v4 =	vperm.xlane v3, v0;
	_ =	sdelay $0x1  }
0x112: {  	v4 =	vadd.s32 v1, v4;
	_ =	sdelay $0x3  }
0x113: {  	s17 =	simm.s32 $0x3200;
	v3 =	vperm.xlane v3, v2  }
0x114: {  	[tilespmem:s17], [sflag:$0x1] =	stream.indirect_vreg.gather [hbm4b:s1+s3], $0x80, v4, vm0, $0xb8;
	[tilespmem:$0x1FA00] =	vst v63  }
0x115: {  	s15 =	simm.s32 $0x3A00;
	v3 =	vadd.s32 v1, v3  }
0x116: {  	[tilespmem:s15], [sflag:$0x1] =	stream.indirect_vreg.gather [hbm4b:s5+s3], $0x80, v4, vm0, $0xb8;
	[tilespmem:$0x1FA00] =	vst v63  }
0x117: {  	s17 =	simm.s32 $0x4200  }
0x118: {  	[tilespmem:s17], [sflag:$0x1] =	stream.indirect_vreg.gather [hbm4b:s6+s3], $0x80, v4, vm0, $0xb8;
	[tilespmem:$0x1FA00] =	vst v63  }
0x119: {  	s22 =	simm.s32 $0x4A00  }
0x11a: {  	[tilespmem:s22], [sflag:$0x1] =	stream.indirect_vreg.gather [hbm4b:s1+s3], $0x80, v3, vm0, $0xb8;
	[tilespmem:$0x1FA00] =	vst v63  }
0x11b: {  	s23 =	simm.s32 $0x5200  }
0x11c: {  	[tilespmem:s23], [sflag:$0x1] =	stream.indirect_vreg.gather [hbm4b:s5+s3], $0x80, v3, vm0, $0xb8;
	[tilespmem:$0x1FA00] =	vst v63  }
0x11d: {  	s18 =	simm.s32 $0x5A00  }
0x11e: {  	[tilespmem:s18], [sflag:$0x1] =	stream.indirect_vreg.gather [hbm4b:s6+s3], $0x80, v3, vm0, $0xb8;
	[tilespmem:$0x1FA00] =	vst v63  }
0x11f: {  	v3 =	vld [tilespmem:$0xC8];
	_ =	sdelay $0x4  }
0x120: {  	v41 =	vshrl.u32 v3, $0x3  }
0x121: {  	v4 =	vmul.u32 $0x30, v41  }
0x122: {  	v3 =	vand.u32 $0x7, v3  }
0x123: {  	v3 =	vor.u32 v3, v4  }
0x124: {  	v4 =	vperm.xlane v3, v0;
	_ =	sdelay $0x1  }
0x125: {  	v4 =	vadd.s32 v1, v4;
	_ =	sdelay $0x3  }
0x126: {  	s19 =	simm.s32 $0x6200;
	v3 =	vperm.xlane v3, v2  }
0x127: {  	[tilespmem:s19], [sflag:$0x1] =	stream.indirect_vreg.gather [hbm4b:s1+s3], $0x80, v4, vm0, $0xb8;
	[tilespmem:$0x1FA00] =	vst v63  }
0x128: {  	s26 =	simm.s32 $0x6A00;
	v3 =	vadd.s32 v1, v3  }
0x129: {  	[tilespmem:s26], [sflag:$0x1] =	stream.indirect_vreg.gather [hbm4b:s5+s3], $0x80, v4, vm0, $0xb8;
	[tilespmem:$0x1FA00] =	vst v63  }
0x12a: {  	s28 =	simm.s32 $0x7200  }
0x12b: {  	[tilespmem:s28], [sflag:$0x1] =	stream.indirect_vreg.gather [hbm4b:s6+s3], $0x80, v4, vm0, $0xb8;
	[tilespmem:$0x1FA00] =	vst v63  }
0x12c: {  	s30 =	simm.s32 $0x7A00  }
0x12d: {  	[tilespmem:s30], [sflag:$0x1] =	stream.indirect_vreg.gather [hbm4b:s1+s3], $0x80, v3, vm0, $0xb8;
	[tilespmem:$0x1FA00] =	vst v63  }
0x12e: {  	s22 =	simm.s32 $0x8200  }
0x12f: {  	[tilespmem:s22], [sflag:$0x1] =	stream.indirect_vreg.gather [hbm4b:s5+s3], $0x80, v3, vm0, $0xb8;
	[tilespmem:$0x1FA00] =	vst v63  }
0x130: {  	s20 =	simm.s32 $0x8A00  }
0x131: {  	[tilespmem:s20], [sflag:$0x1] =	stream.indirect_vreg.gather [hbm4b:s6+s3], $0x80, v3, vm0, $0xb8;
	[tilespmem:$0x1FA00] =	vst v63  }
0x132: {  	v3 =	vld.msk [tilespmem:$0xD8], $0xff;
	_ =	sdelay $0x4  }
0x133: {  	v42 =	vshrl.u32 v3, $0x3  }
0x134: {  	v4 =	vmul.u32 $0x30, v42  }
0x135: {  	v3 =	vand.u32 $0x7, v3  }
0x136: {  	v3 =	vor.u32 v3, v4  }
0x137: {  	v3 =	vperm.xlane v3, v0;
	_ =	sdelay $0x1  }
0x138: {  	v3 =	vadd.s32 v1, v3;
	_ =	sdelay $0x3  }
0x139: {  	s23 =	simm.s32 $0x9200  }
0x13a: {  	[tilespmem:s23], [sflag:$0x1] =	stream.indirect_vreg.gather [hbm4b:s1+s3], $0x80, v3, vm0, $0xb8;
	[tilespmem:$0x1FA00] =	vst v63  }
0x13b: {  	s24 =	simm.s32 $0x9A00  }
0x13c: {  	[tilespmem:s24], [sflag:$0x1] =	stream.indirect_vreg.gather [hbm4b:s5+s3], $0x80, v3, vm0, $0xb8;
	[tilespmem:$0x1FA00] =	vst v63  }
0x13d: {  	s21 =	simm.s32 $0xA200  }
0x13e: {  	[tilespmem:s21], [sflag:$0x1] =	stream.indirect_vreg.gather [hbm4b:s6+s3], $0x80, v3, vm0, $0xb8;
	[tilespmem:$0x1FA00] =	vst v63  }
0x13f: {  	_ =	swait.ge [sflag:s10], $0xA800  }
0x140: {  	[sflag:s10] =	ssyncset.done $0x0  }
0x141: {  	s25 =	simm.s32 $0xAA00;
	s24 =	rddreg [dreg:$0x6];
	[sflag:s10] =	ssyncadd.s32 $0xFFFF5800  }
0x142: {  	[hbm4b:s24+s3] =	stream.linear.scatter [tilespmem:s25], [sflag:$0x5], $0xA800, $0x38;
	[tilespmem:$0x1FA00] =	vst v63  }
0x143: {  	_ =	swait.ge [sflag:s12], $0xA800  }
0x144: {  	[sflag:s12] =	ssyncset.done $0x0  }
0x145: {  	[sflag:s12] =	ssyncadd.s32 $0xFFFF5800  }
0x146: {  	v3 =	vld [tilespmem:$0xE0];
	_ =	sdelay $0x4  }
0x147: {  	v43 =	vshrl.u32 v3, $0x3  }
0x148: {  	v4 =	vmul.u32 $0x30, v43  }
0x149: {  	v3 =	vand.u32 $0x7, v3  }
0x14a: {  	v3 =	vor.u32 v3, v4  }
0x14b: {  	v4 =	vperm.xlane v3, v0;
	_ =	sdelay $0x1  }
0x14c: {  	v4 =	vadd.s32 v1, v4;
	_ =	sdelay $0x3  }
0x14d: {  	v3 =	vperm.xlane v3, v2  }
0x14e: {  	[tilespmem:s25], [sflag:$0x2] =	stream.indirect_vreg.gather [hbm4b:s1+s3], $0x80, v4, vm0, $0xb8;
	[tilespmem:$0x1FA00] =	vst v63  }
0x14f: {  	s11 =	simm.s32 $0xB200;
	v3 =	vadd.s32 v1, v3  }
0x150: {  	[tilespmem:s11], [sflag:$0x2] =	stream.indirect_vreg.gather [hbm4b:s5+s3], $0x80, v4, vm0, $0xb8;
	[tilespmem:$0x1FA00] =	vst v63  }
0x151: {  	s17 =	simm.s32 $0xBA00  }
0x152: {  	[tilespmem:s17], [sflag:$0x2] =	stream.indirect_vreg.gather [hbm4b:s6+s3], $0x80, v4, vm0, $0xb8;
	[tilespmem:$0x1FA00] =	vst v63  }
0x153: {  	s18 =	simm.s32 $0xC200  }
0x154: {  	[tilespmem:s18], [sflag:$0x2] =	stream.indirect_vreg.gather [hbm4b:s1+s3], $0x80, v3, vm0, $0xb8;
	[tilespmem:$0x1FA00] =	vst v63  }
0x155: {  	s19 =	simm.s32 $0xCA00  }
0x156: {  	[tilespmem:s19], [sflag:$0x2] =	stream.indirect_vreg.gather [hbm4b:s5+s3], $0x80, v3, vm0, $0xb8;
	[tilespmem:$0x1FA00] =	vst v63  }
0x157: {  	s26 =	simm.s32 $0xD200  }
0x158: {  	[tilespmem:s26], [sflag:$0x2] =	stream.indirect_vreg.gather [hbm4b:s6+s3], $0x80, v3, vm0, $0xb8;
	[tilespmem:$0x1FA00] =	vst v63  }
0x159: {  	v3 =	vld [tilespmem:$0xF0];
	_ =	sdelay $0x4  }
0x15a: {  	v44 =	vshrl.u32 v3, $0x3  }
0x15b: {  	v4 =	vmul.u32 $0x30, v44  }
0x15c: {  	v3 =	vand.u32 $0x7, v3  }
0x15d: {  	v3 =	vor.u32 v3, v4  }
0x15e: {  	v4 =	vperm.xlane v3, v0;
	_ =	sdelay $0x1  }
0x15f: {  	v4 =	vadd.s32 v1, v4;
	_ =	sdelay $0x3  }
0x160: {  	s28 =	simm.s32 $0xDA00;
	v3 =	vperm.xlane v3, v2  }
0x161: {  	[tilespmem:s28], [sflag:$0x2] =	stream.indirect_vreg.gather [hbm4b:s1+s3], $0x80, v4, vm0, $0xb8;
	[tilespmem:$0x1FA00] =	vst v63  }
0x162: {  	s20 =	simm.s32 $0xE200;
	v3 =	vadd.s32 v1, v3  }
0x163: {  	[tilespmem:s20], [sflag:$0x2] =	stream.indirect_vreg.gather [hbm4b:s5+s3], $0x80, v4, vm0, $0xb8;
	[tilespmem:$0x1FA00] =	vst v63  }
0x164: {  	s21 =	simm.s32 $0xEA00  }
0x165: {  	[tilespmem:s21], [sflag:$0x2] =	stream.indirect_vreg.gather [hbm4b:s6+s3], $0x80, v4, vm0, $0xb8;
	[tilespmem:$0x1FA00] =	vst v63  }
0x166: {  	s22 =	simm.s32 $0xF200  }
0x167: {  	[tilespmem:s22], [sflag:$0x2] =	stream.indirect_vreg.gather [hbm4b:s1+s3], $0x80, v3, vm0, $0xb8;
	[tilespmem:$0x1FA00] =	vst v63  }
0x168: {  	s23 =	simm.s32 $0xFA00  }
0x169: {  	[tilespmem:s23], [sflag:$0x2] =	stream.indirect_vreg.gather [hbm4b:s5+s3], $0x80, v3, vm0, $0xb8;
	[tilespmem:$0x1FA00] =	vst v63  }
0x16a: {  	s29 =	simm.s32 $0x10200  }
0x16b: {  	[tilespmem:s29], [sflag:$0x2] =	stream.indirect_vreg.gather [hbm4b:s6+s3], $0x80, v3, vm0, $0xb8;
	[tilespmem:$0x1FA00] =	vst v63  }
0x16c: {  	v3 =	vld [tilespmem:$0x100];
	_ =	sdelay $0x4  }
0x16d: {  	v45 =	vshrl.u32 v3, $0x3  }
0x16e: {  	v4 =	vmul.u32 $0x30, v45  }
0x16f: {  	v3 =	vand.u32 $0x7, v3  }
0x170: {  	v3 =	vor.u32 v3, v4  }
0x171: {  	v4 =	vperm.xlane v3, v0;
	_ =	sdelay $0x1  }
0x172: {  	v4 =	vadd.s32 v1, v4;
	_ =	sdelay $0x3  }
0x173: {  	s30 =	simm.s32 $0x10A00;
	v3 =	vperm.xlane v3, v2  }
0x174: {  	[tilespmem:s30], [sflag:$0x2] =	stream.indirect_vreg.gather [hbm4b:s1+s3], $0x80, v4, vm0, $0xb8;
	[tilespmem:$0x1FA00] =	vst v63  }
0x175: {  	s24 =	simm.s32 $0x11200;
	v3 =	vadd.s32 v1, v3  }
0x176: {  	[tilespmem:s24], [sflag:$0x2] =	stream.indirect_vreg.gather [hbm4b:s5+s3], $0x80, v4, vm0, $0xb8;
	[tilespmem:$0x1FA00] =	vst v63  }
0x177: {  	s25 =	simm.s32 $0x11A00  }
0x178: {  	[tilespmem:s25], [sflag:$0x2] =	stream.indirect_vreg.gather [hbm4b:s6+s3], $0x80, v4, vm0, $0xb8;
	[tilespmem:$0x1FA00] =	vst v63  }
0x179: {  	s26 =	simm.s32 $0x12200  }
0x17a: {  	[tilespmem:s26], [sflag:$0x2] =	stream.indirect_vreg.gather [hbm4b:s1+s3], $0x80, v3, vm0, $0xb8;
	[tilespmem:$0x1FA00] =	vst v63  }
0x17b: {  	s28 =	simm.s32 $0x12A00  }
0x17c: {  	[tilespmem:s28], [sflag:$0x2] =	stream.indirect_vreg.gather [hbm4b:s5+s3], $0x80, v3, vm0, $0xb8;
	[tilespmem:$0x1FA00] =	vst v63  }
0x17d: {  	s31 =	simm.s32 $0x13200  }
0x17e: {  	[tilespmem:s31], [sflag:$0x2] =	stream.indirect_vreg.gather [hbm4b:s6+s3], $0x80, v3, vm0, $0xb8;
	[tilespmem:$0x1FA00] =	vst v63  }
0x17f: {  	v3 =	vld.msk [tilespmem:$0x110], $0xff;
	_ =	sdelay $0x4  }
0x180: {  	v46 =	vshrl.u32 v3, $0x3  }
0x181: {  	v4 =	vmul.u32 $0x30, v46  }
0x182: {  	v3 =	vand.u32 $0x7, v3  }
0x183: {  	v3 =	vor.u32 v3, v4  }
0x184: {  	v3 =	vperm.xlane v3, v0;
	_ =	sdelay $0x1  }
0x185: {  	v3 =	vadd.s32 v1, v3;
	_ =	sdelay $0x3  }
0x186: {  	s29 =	simm.s32 $0x13A00  }
0x187: {  	[tilespmem:s29], [sflag:$0x2] =	stream.indirect_vreg.gather [hbm4b:s1+s3], $0x80, v3, vm0, $0xb8;
	[tilespmem:$0x1FA00] =	vst v63  }
0x188: {  	s30 =	simm.s32 $0x14200  }
0x189: {  	[tilespmem:s30], [sflag:$0x2] =	stream.indirect_vreg.gather [hbm4b:s5+s3], $0x80, v3, vm0, $0xb8;
	[tilespmem:$0x1FA00] =	vst v63  }
0x18a: {  	s31 =	simm.s32 $0x14A00  }
0x18b: {  	[tilespmem:s31], [sflag:$0x2] =	stream.indirect_vreg.gather [hbm4b:s6+s3], $0x80, v3, vm0, $0xb8;
	[tilespmem:$0x1FA00] =	vst v63  }
0x18c: {  	_ =	swait.ge [sflag:s13], $0xA800  }
0x18d: {  	[sflag:s13] =	ssyncset.done $0x0  }
0x18e: {  	s15 =	rddreg [dreg:$0x7];
	[sflag:s13] =	ssyncadd.s32 $0xFFFF5800  }
0x18f: {  	[hbm4b:s15+s3] =	stream.linear.scatter [tilespmem:s16], [sflag:$0x6], $0xA800, $0x38;
	[tilespmem:$0x1FA00] =	vst v63  }
0x190: {  	_ =	swait.ge [sflag:s14], $0xA800  }
0x191: {  	[sflag:s14] =	ssyncset.done $0x0  }
0x192: {  	[sflag:s14] =	ssyncadd.s32 $0xFFFF5800  }
0x193: {  	v3 =	vld [tilespmem:$0x118];
	_ =	sdelay $0x4  }
0x194: {  	v47 =	vshrl.u32 v3, $0x3  }
0x195: {  	v4 =	vmul.u32 $0x30, v47  }
0x196: {  	v3 =	vand.u32 $0x7, v3  }
0x197: {  	v3 =	vor.u32 v3, v4  }
0x198: {  	v4 =	vperm.xlane v3, v0;
	_ =	sdelay $0x1  }
0x199: {  	v4 =	vadd.s32 v1, v4;
	_ =	sdelay $0x3  }
0x19a: {  	v3 =	vperm.xlane v3, v2  }
0x19b: {  	[tilespmem:s16], [sflag:$0x3] =	stream.indirect_vreg.gather [hbm4b:s1+s3], $0x80, v4, vm0, $0xb8;
	[tilespmem:$0x1FA00] =	vst v63  }
0x19c: {  	s15 =	simm.s32 $0x15A00;
	v3 =	vadd.s32 v1, v3  }
0x19d: {  	[tilespmem:s15], [sflag:$0x3] =	stream.indirect_vreg.gather [hbm4b:s5+s3], $0x80, v4, vm0, $0xb8;
	[tilespmem:$0x1FA00] =	vst v63  }
0x19e: {  	s15 =	simm.s32 $0x16200  }
0x19f: {  	[tilespmem:s15], [sflag:$0x3] =	stream.indirect_vreg.gather [hbm4b:s6+s3], $0x80, v4, vm0, $0xb8;
	[tilespmem:$0x1FA00] =	vst v63  }
0x1a0: {  	s15 =	simm.s32 $0x16A00  }
0x1a1: {  	[tilespmem:s15], [sflag:$0x3] =	stream.indirect_vreg.gather [hbm4b:s1+s3], $0x80, v3, vm0, $0xb8;
	[tilespmem:$0x1FA00] =	vst v63  }
0x1a2: {  	s15 =	simm.s32 $0x17200  }
0x1a3: {  	[tilespmem:s15], [sflag:$0x3] =	stream.indirect_vreg.gather [hbm4b:s5+s3], $0x80, v3, vm0, $0xb8;
	[tilespmem:$0x1FA00] =	vst v63  }
0x1a4: {  	s15 =	simm.s32 $0x17A00  }
0x1a5: {  	[tilespmem:s15], [sflag:$0x3] =	stream.indirect_vreg.gather [hbm4b:s6+s3], $0x80, v3, vm0, $0xb8;
	[tilespmem:$0x1FA00] =	vst v63  }
0x1a6: {  	v3 =	vld [tilespmem:$0x128];
	_ =	sdelay $0x4  }
0x1a7: {  	v48 =	vshrl.u32 v3, $0x3  }
0x1a8: {  	v4 =	vmul.u32 $0x30, v48  }
0x1a9: {  	v3 =	vand.u32 $0x7, v3  }
0x1aa: {  	v3 =	vor.u32 v3, v4  }
0x1ab: {  	v4 =	vperm.xlane v3, v0;
	_ =	sdelay $0x1  }
0x1ac: {  	v4 =	vadd.s32 v1, v4;
	_ =	sdelay $0x3  }
0x1ad: {  	s15 =	simm.s32 $0x18200;
	v3 =	vperm.xlane v3, v2  }
0x1ae: {  	[tilespmem:s15], [sflag:$0x3] =	stream.indirect_vreg.gather [hbm4b:s1+s3], $0x80, v4, vm0, $0xb8;
	[tilespmem:$0x1FA00] =	vst v63  }
0x1af: {  	v3 =	vadd.s32 v1, v3;
	s15 =	simm.s32 $0x18A00  }
0x1b0: {  	[tilespmem:s15], [sflag:$0x3] =	stream.indirect_vreg.gather [hbm4b:s5+s3], $0x80, v4, vm0, $0xb8;
	[tilespmem:$0x1FA00] =	vst v63  }
0x1b1: {  	s15 =	simm.s32 $0x19200  }
0x1b2: {  	[tilespmem:s15], [sflag:$0x3] =	stream.indirect_vreg.gather [hbm4b:s6+s3], $0x80, v4, vm0, $0xb8;
	[tilespmem:$0x1FA00] =	vst v63  }
0x1b3: {  	s15 =	simm.s32 $0x19A00  }
0x1b4: {  	[tilespmem:s15], [sflag:$0x3] =	stream.indirect_vreg.gather [hbm4b:s1+s3], $0x80, v3, vm0, $0xb8;
	[tilespmem:$0x1FA00] =	vst v63  }
0x1b5: {  	s15 =	simm.s32 $0x1A200  }
0x1b6: {  	[tilespmem:s15], [sflag:$0x3] =	stream.indirect_vreg.gather [hbm4b:s5+s3], $0x80, v3, vm0, $0xb8;
	[tilespmem:$0x1FA00] =	vst v63  }
0x1b7: {  	s15 =	simm.s32 $0x1AA00  }
0x1b8: {  	[tilespmem:s15], [sflag:$0x3] =	stream.indirect_vreg.gather [hbm4b:s6+s3], $0x80, v3, vm0, $0xb8;
	[tilespmem:$0x1FA00] =	vst v63  }
0x1b9: {  	v3 =	vld [tilespmem:$0x138];
	_ =	sdelay $0x4  }
0x1ba: {  	v49 =	vshrl.u32 v3, $0x3  }
0x1bb: {  	v4 =	vmul.u32 $0x30, v49  }
0x1bc: {  	v3 =	vand.u32 $0x7, v3  }
0x1bd: {  	v3 =	vor.u32 v3, v4  }
0x1be: {  	v4 =	vperm.xlane v3, v0;
	_ =	sdelay $0x1  }
0x1bf: {  	v4 =	vadd.s32 v1, v4;
	_ =	sdelay $0x3  }
0x1c0: {  	s15 =	simm.s32 $0x1B200;
	v3 =	vperm.xlane v3, v2  }
0x1c1: {  	[tilespmem:s15], [sflag:$0x3] =	stream.indirect_vreg.gather [hbm4b:s1+s3], $0x80, v4, vm0, $0xb8;
	[tilespmem:$0x1FA00] =	vst v63  }
0x1c2: {  	v3 =	vadd.s32 v1, v3;
	s15 =	simm.s32 $0x1BA00  }
0x1c3: {  	[tilespmem:s15], [sflag:$0x3] =	stream.indirect_vreg.gather [hbm4b:s5+s3], $0x80, v4, vm0, $0xb8;
	[tilespmem:$0x1FA00] =	vst v63  }
0x1c4: {  	s15 =	simm.s32 $0x1C200  }
0x1c5: {  	[tilespmem:s15], [sflag:$0x3] =	stream.indirect_vreg.gather [hbm4b:s6+s3], $0x80, v4, vm0, $0xb8;
	[tilespmem:$0x1FA00] =	vst v63  }
0x1c6: {  	s15 =	simm.s32 $0x1CA00  }
0x1c7: {  	[tilespmem:s15], [sflag:$0x3] =	stream.indirect_vreg.gather [hbm4b:s1+s3], $0x80, v3, vm0, $0xb8;
	[tilespmem:$0x1FA00] =	vst v63  }
0x1c8: {  	s15 =	simm.s32 $0x1D200  }
0x1c9: {  	[tilespmem:s15], [sflag:$0x3] =	stream.indirect_vreg.gather [hbm4b:s5+s3], $0x80, v3, vm0, $0xb8;
	[tilespmem:$0x1FA00] =	vst v63  }
0x1ca: {  	s15 =	simm.s32 $0x1DA00  }
0x1cb: {  	[tilespmem:s15], [sflag:$0x3] =	stream.indirect_vreg.gather [hbm4b:s6+s3], $0x80, v3, vm0, $0xb8;
	[tilespmem:$0x1FA00] =	vst v63  }
0x1cc: {  	v3 =	vld.msk [tilespmem:$0x148], $0xff;
	_ =	sdelay $0x4  }
0x1cd: {  	v50 =	vshrl.u32 v3, $0x3  }
0x1ce: {  	v4 =	vmul.u32 $0x30, v50  }
0x1cf: {  	v3 =	vand.u32 $0x7, v3  }
0x1d0: {  	v3 =	vor.u32 v3, v4  }
0x1d1: {  	v3 =	vperm.xlane v3, v0;
	_ =	sdelay $0x1  }
0x1d2: {  	v3 =	vadd.s32 v1, v3;
	_ =	sdelay $0x3  }
0x1d3: {  	s15 =	simm.s32 $0x1E200  }
0x1d4: {  	[tilespmem:s15], [sflag:$0x3] =	stream.indirect_vreg.gather [hbm4b:s1+s3], $0x80, v3, vm0, $0xb8;
	[tilespmem:$0x1FA00] =	vst v63  }
0x1d5: {  	s15 =	simm.s32 $0x1EA00  }
0x1d6: {  	[tilespmem:s15], [sflag:$0x3] =	stream.indirect_vreg.gather [hbm4b:s5+s3], $0x80, v3, vm0, $0xb8;
	[tilespmem:$0x1FA00] =	vst v63  }
0x1d7: {  	s15 =	simm.s32 $0x1F200  }
0x1d8: {  	[tilespmem:s15], [sflag:$0x3] =	stream.indirect_vreg.gather [hbm4b:s6+s3], $0x80, v3, vm0, $0xb8;
	[tilespmem:$0x1FA00] =	vst v63  }
0x1d9: {  	_ =	swait.ge [sflag:s0], $0xA800  }
0x1da: {  	[sflag:s0] =	ssyncset.done $0x0  }
0x1db: {  	s15 =	rddreg [dreg:$0x8];
	[sflag:s0] =	ssyncadd.s32 $0xFFFF5800  }
0x1dc: {  	[hbm4b:s15+s3] =	stream.linear.scatter [tilespmem:s4], [sflag:$0x4], $0xA800, $0x38;
	[tilespmem:$0x1FA00] =	vst v63  }
0x1dd: {  	_ =	swait.ge [sflag:s2], $0xA800  }
0x1de: {  	[sflag:s2] =	ssyncset.done $0x0  }
0x1df: {  	[sflag:s2] =	ssyncadd.s32 $0xFFFF5800  }
0x1e0: {  	v3 =	vld [tilespmem:$0x150];
	_ =	sdelay $0x4  }
0x1e1: {  	v51 =	vshrl.u32 v3, $0x3  }
0x1e2: {  	v4 =	vmul.u32 $0x30, v51  }
0x1e3: {  	v3 =	vand.u32 $0x7, v3  }
0x1e4: {  	v3 =	vor.u32 v3, v4  }
0x1e5: {  	v4 =	vperm.xlane v3, v0;
	_ =	sdelay $0x1  }
0x1e6: {  	v4 =	vadd.s32 v1, v4;
	_ =	sdelay $0x3  }
0x1e7: {  	v3 =	vperm.xlane v3, v2  }
0x1e8: {  	[tilespmem:s4], [sflag:$0x1] =	stream.indirect_vreg.gather [hbm4b:s1+s3], $0x80, v4, vm0, $0xb8;
	[tilespmem:$0x1FA00] =	vst v63  }
0x1e9: {  	v3 =	vadd.s32 v1, v3  }
0x1ea: {  	[tilespmem:s9], [sflag:$0x1] =	stream.indirect_vreg.gather [hbm4b:s5+s3], $0x80, v4, vm0, $0xb8;
	[tilespmem:$0x1FA00] =	vst v63  }
0x1eb: {  	_ = 	snop  }
0x1ec: {  	[tilespmem:s8], [sflag:$0x1] =	stream.indirect_vreg.gather [hbm4b:s6+s3], $0x80, v4, vm0, $0xb8;
	[tilespmem:$0x1FA00] =	vst v63  }
0x1ed: {  	s15 =	simm.s32 $0x1A00  }
0x1ee: {  	[tilespmem:s15], [sflag:$0x1] =	stream.indirect_vreg.gather [hbm4b:s1+s3], $0x80, v3, vm0, $0xb8;
	[tilespmem:$0x1FA00] =	vst v63  }
0x1ef: {  	s15 =	simm.s32 $0x2200  }
0x1f0: {  	[tilespmem:s15], [sflag:$0x1] =	stream.indirect_vreg.gather [hbm4b:s5+s3], $0x80, v3, vm0, $0xb8;
	[tilespmem:$0x1FA00] =	vst v63  }
0x1f1: {  	s15 =	simm.s32 $0x2A00  }
0x1f2: {  	[tilespmem:s15], [sflag:$0x1] =	stream.indirect_vreg.gather [hbm4b:s6+s3], $0x80, v3, vm0, $0xb8;
	[tilespmem:$0x1FA00] =	vst v63  }
0x1f3: {  	v3 =	vld [tilespmem:$0x160];
	_ =	sdelay $0x4  }
0x1f4: {  	v52 =	vshrl.u32 v3, $0x3  }
0x1f5: {  	v4 =	vmul.u32 $0x30, v52  }
0x1f6: {  	v3 =	vand.u32 $0x7, v3  }
0x1f7: {  	v3 =	vor.u32 v3, v4  }
0x1f8: {  	v4 =	vperm.xlane v3, v0;
	_ =	sdelay $0x1  }
0x1f9: {  	v4 =	vadd.s32 v1, v4;
	_ =	sdelay $0x3  }
0x1fa: {  	s15 =	simm.s32 $0x3200;
	v3 =	vperm.xlane v3, v2  }
0x1fb: {  	[tilespmem:s15], [sflag:$0x1] =	stream.indirect_vreg.gather [hbm4b:s1+s3], $0x80, v4, vm0, $0xb8;
	[tilespmem:$0x1FA00] =	vst v63  }
0x1fc: {  	v3 =	vadd.s32 v1, v3;
	s15 =	simm.s32 $0x3A00  }
0x1fd: {  	[tilespmem:s15], [sflag:$0x1] =	stream.indirect_vreg.gather [hbm4b:s5+s3], $0x80, v4, vm0, $0xb8;
	[tilespmem:$0x1FA00] =	vst v63  }
0x1fe: {  	s15 =	simm.s32 $0x4200  }
0x1ff: {  	[tilespmem:s15], [sflag:$0x1] =	stream.indirect_vreg.gather [hbm4b:s6+s3], $0x80, v4, vm0, $0xb8;
	[tilespmem:$0x1FA00] =	vst v63  }
0x200: {  	s15 =	simm.s32 $0x4A00  }
0x201: {  	[tilespmem:s15], [sflag:$0x1] =	stream.indirect_vreg.gather [hbm4b:s1+s3], $0x80, v3, vm0, $0xb8;
	[tilespmem:$0x1FA00] =	vst v63  }
0x202: {  	s15 =	simm.s32 $0x5200  }
0x203: {  	[tilespmem:s15], [sflag:$0x1] =	stream.indirect_vreg.gather [hbm4b:s5+s3], $0x80, v3, vm0, $0xb8;
	[tilespmem:$0x1FA00] =	vst v63  }
0x204: {  	s15 =	simm.s32 $0x5A00  }
0x205: {  	[tilespmem:s15], [sflag:$0x1] =	stream.indirect_vreg.gather [hbm4b:s6+s3], $0x80, v3, vm0, $0xb8;
	[tilespmem:$0x1FA00] =	vst v63  }
0x206: {  	v3 =	vld [tilespmem:$0x170];
	_ =	sdelay $0x4  }
0x207: {  	v53 =	vshrl.u32 v3, $0x3  }
0x208: {  	v4 =	vmul.u32 $0x30, v53  }
0x209: {  	v3 =	vand.u32 $0x7, v3  }
0x20a: {  	v3 =	vor.u32 v3, v4  }
0x20b: {  	v4 =	vperm.xlane v3, v0;
	_ =	sdelay $0x1  }
0x20c: {  	v4 =	vadd.s32 v1, v4;
	_ =	sdelay $0x3  }
0x20d: {  	s15 =	simm.s32 $0x6200;
	v3 =	vperm.xlane v3, v2  }
0x20e: {  	[tilespmem:s15], [sflag:$0x1] =	stream.indirect_vreg.gather [hbm4b:s1+s3], $0x80, v4, vm0, $0xb8;
	[tilespmem:$0x1FA00] =	vst v63  }
0x20f: {  	v3 =	vadd.s32 v1, v3;
	s15 =	simm.s32 $0x6A00  }
0x210: {  	[tilespmem:s15], [sflag:$0x1] =	stream.indirect_vreg.gather [hbm4b:s5+s3], $0x80, v4, vm0, $0xb8;
	[tilespmem:$0x1FA00] =	vst v63  }
0x211: {  	s15 =	simm.s32 $0x7200  }
0x212: {  	[tilespmem:s15], [sflag:$0x1] =	stream.indirect_vreg.gather [hbm4b:s6+s3], $0x80, v4, vm0, $0xb8;
	[tilespmem:$0x1FA00] =	vst v63  }
0x213: {  	s15 =	simm.s32 $0x7A00  }
0x214: {  	[tilespmem:s15], [sflag:$0x1] =	stream.indirect_vreg.gather [hbm4b:s1+s3], $0x80, v3, vm0, $0xb8;
	[tilespmem:$0x1FA00] =	vst v63  }
0x215: {  	s15 =	simm.s32 $0x8200  }
0x216: {  	[tilespmem:s15], [sflag:$0x1] =	stream.indirect_vreg.gather [hbm4b:s5+s3], $0x80, v3, vm0, $0xb8;
	[tilespmem:$0x1FA00] =	vst v63  }
0x217: {  	s15 =	simm.s32 $0x8A00  }
0x218: {  	[tilespmem:s15], [sflag:$0x1] =	stream.indirect_vreg.gather [hbm4b:s6+s3], $0x80, v3, vm0, $0xb8;
	[tilespmem:$0x1FA00] =	vst v63  }
0x219: {  	v3 =	vld.msk [tilespmem:$0x180], $0xff;
	_ =	sdelay $0x4  }
0x21a: {  	v54 =	vshrl.u32 v3, $0x3  }
0x21b: {  	v4 =	vmul.u32 $0x30, v54  }
0x21c: {  	v3 =	vand.u32 $0x7, v3  }
0x21d: {  	v3 =	vor.u32 v3, v4  }
0x21e: {  	v3 =	vperm.xlane v3, v0;
	_ =	sdelay $0x1  }
0x21f: {  	v3 =	vadd.s32 v1, v3;
	_ =	sdelay $0x3  }
0x220: {  	s15 =	simm.s32 $0x9200  }
0x221: {  	[tilespmem:s15], [sflag:$0x1] =	stream.indirect_vreg.gather [hbm4b:s1+s3], $0x80, v3, vm0, $0xb8;
	[tilespmem:$0x1FA00] =	vst v63  }
0x222: {  	s15 =	simm.s32 $0x9A00  }
0x223: {  	[tilespmem:s15], [sflag:$0x1] =	stream.indirect_vreg.gather [hbm4b:s5+s3], $0x80, v3, vm0, $0xb8;
	[tilespmem:$0x1FA00] =	vst v63  }
0x224: {  	s15 =	simm.s32 $0xA200  }
0x225: {  	[tilespmem:s15], [sflag:$0x1] =	stream.indirect_vreg.gather [hbm4b:s6+s3], $0x80, v3, vm0, $0xb8;
	[tilespmem:$0x1FA00] =	vst v63  }
0x226: {  	_ =	swait.ge [sflag:s10], $0xA800  }
0x227: {  	[sflag:s10] =	ssyncset.done $0x0  }
0x228: {  	s8 =	simm.s32 $0xAA00;
	s15 =	rddreg [dreg:$0x9];
	[sflag:s10] =	ssyncadd.s32 $0xFFFF5800  }
0x229: {  	[hbm4b:s15+s3] =	stream.linear.scatter [tilespmem:s8], [sflag:$0x5], $0xA800, $0x38;
	[tilespmem:$0x1FA00] =	vst v63  }
0x22a: {  	_ =	swait.ge [sflag:s12], $0xA800  }
0x22b: {  	[sflag:s12] =	ssyncset.done $0x0  }
0x22c: {  	[sflag:s12] =	ssyncadd.s32 $0xFFFF5800  }
0x22d: {  	v3 =	vld [tilespmem:$0x188];
	_ =	sdelay $0x4  }
0x22e: {  	v55 =	vshrl.u32 v3, $0x3  }
0x22f: {  	v4 =	vmul.u32 $0x30, v55  }
0x230: {  	v3 =	vand.u32 $0x7, v3  }
0x231: {  	v3 =	vor.u32 v3, v4  }
0x232: {  	v4 =	vperm.xlane v3, v0;
	_ =	sdelay $0x1  }
0x233: {  	v4 =	vadd.s32 v1, v4;
	_ =	sdelay $0x3  }
0x234: {  	v3 =	vperm.xlane v3, v2  }
0x235: {  	[tilespmem:s8], [sflag:$0x2] =	stream.indirect_vreg.gather [hbm4b:s1+s3], $0x80, v4, vm0, $0xb8;
	[tilespmem:$0x1FA00] =	vst v63  }
0x236: {  	v3 =	vadd.s32 v1, v3  }
0x237: {  	[tilespmem:s11], [sflag:$0x2] =	stream.indirect_vreg.gather [hbm4b:s5+s3], $0x80, v4, vm0, $0xb8;
	[tilespmem:$0x1FA00] =	vst v63  }
0x238: {  	_ = 	snop  }
0x239: {  	[tilespmem:s17], [sflag:$0x2] =	stream.indirect_vreg.gather [hbm4b:s6+s3], $0x80, v4, vm0, $0xb8;
	[tilespmem:$0x1FA00] =	vst v63  }
0x23a: {  	_ = 	snop  }
0x23b: {  	[tilespmem:s18], [sflag:$0x2] =	stream.indirect_vreg.gather [hbm4b:s1+s3], $0x80, v3, vm0, $0xb8;
	[tilespmem:$0x1FA00] =	vst v63  }
0x23c: {  	_ = 	snop  }
0x23d: {  	[tilespmem:s19], [sflag:$0x2] =	stream.indirect_vreg.gather [hbm4b:s5+s3], $0x80, v3, vm0, $0xb8;
	[tilespmem:$0x1FA00] =	vst v63  }
0x23e: {  	s19 =	simm.s32 $0xD200  }
0x23f: {  	[tilespmem:s19], [sflag:$0x2] =	stream.indirect_vreg.gather [hbm4b:s6+s3], $0x80, v3, vm0, $0xb8;
	[tilespmem:$0x1FA00] =	vst v63  }
0x240: {  	v3 =	vld [tilespmem:$0x198];
	_ =	sdelay $0x4  }
0x241: {  	v56 =	vshrl.u32 v3, $0x3  }
0x242: {  	v4 =	vmul.u32 $0x30, v56  }
0x243: {  	v3 =	vand.u32 $0x7, v3  }
0x244: {  	v3 =	vor.u32 v3, v4  }
0x245: {  	v4 =	vperm.xlane v3, v0;
	_ =	sdelay $0x1  }
0x246: {  	v4 =	vadd.s32 v1, v4;
	_ =	sdelay $0x3  }
0x247: {  	s15 =	simm.s32 $0xDA00;
	v3 =	vperm.xlane v3, v2  }
0x248: {  	[tilespmem:s15], [sflag:$0x2] =	stream.indirect_vreg.gather [hbm4b:s1+s3], $0x80, v4, vm0, $0xb8;
	[tilespmem:$0x1FA00] =	vst v63  }
0x249: {  	v3 =	vadd.s32 v1, v3  }
0x24a: {  	[tilespmem:s20], [sflag:$0x2] =	stream.indirect_vreg.gather [hbm4b:s5+s3], $0x80, v4, vm0, $0xb8;
	[tilespmem:$0x1FA00] =	vst v63  }
0x24b: {  	_ = 	snop  }
0x24c: {  	[tilespmem:s21], [sflag:$0x2] =	stream.indirect_vreg.gather [hbm4b:s6+s3], $0x80, v4, vm0, $0xb8;
	[tilespmem:$0x1FA00] =	vst v63  }
0x24d: {  	_ = 	snop  }
0x24e: {  	[tilespmem:s22], [sflag:$0x2] =	stream.indirect_vreg.gather [hbm4b:s1+s3], $0x80, v3, vm0, $0xb8;
	[tilespmem:$0x1FA00] =	vst v63  }
0x24f: {  	_ = 	snop  }
0x250: {  	[tilespmem:s23], [sflag:$0x2] =	stream.indirect_vreg.gather [hbm4b:s5+s3], $0x80, v3, vm0, $0xb8;
	[tilespmem:$0x1FA00] =	vst v63  }
0x251: {  	s17 =	simm.s32 $0x10200  }
0x252: {  	[tilespmem:s17], [sflag:$0x2] =	stream.indirect_vreg.gather [hbm4b:s6+s3], $0x80, v3, vm0, $0xb8;
	[tilespmem:$0x1FA00] =	vst v63  }
0x253: {  	v3 =	vld [tilespmem:$0x1A8];
	_ =	sdelay $0x4  }
0x254: {  	v57 =	vshrl.u32 v3, $0x3  }
0x255: {  	v4 =	vmul.u32 $0x30, v57  }
0x256: {  	v3 =	vand.u32 $0x7, v3  }
0x257: {  	v3 =	vor.u32 v3, v4  }
0x258: {  	v4 =	vperm.xlane v3, v0;
	_ =	sdelay $0x1  }
0x259: {  	v4 =	vadd.s32 v1, v4;
	_ =	sdelay $0x3  }
0x25a: {  	s18 =	simm.s32 $0x10A00;
	v3 =	vperm.xlane v3, v2  }
0x25b: {  	[tilespmem:s18], [sflag:$0x2] =	stream.indirect_vreg.gather [hbm4b:s1+s3], $0x80, v4, vm0, $0xb8;
	[tilespmem:$0x1FA00] =	vst v63  }
0x25c: {  	v3 =	vadd.s32 v1, v3  }
0x25d: {  	[tilespmem:s24], [sflag:$0x2] =	stream.indirect_vreg.gather [hbm4b:s5+s3], $0x80, v4, vm0, $0xb8;
	[tilespmem:$0x1FA00] =	vst v63  }
0x25e: {  	_ = 	snop  }
0x25f: {  	[tilespmem:s25], [sflag:$0x2] =	stream.indirect_vreg.gather [hbm4b:s6+s3], $0x80, v4, vm0, $0xb8;
	[tilespmem:$0x1FA00] =	vst v63  }
0x260: {  	_ = 	snop  }
0x261: {  	[tilespmem:s26], [sflag:$0x2] =	stream.indirect_vreg.gather [hbm4b:s1+s3], $0x80, v3, vm0, $0xb8;
	[tilespmem:$0x1FA00] =	vst v63  }
0x262: {  	_ = 	snop  }
0x263: {  	[tilespmem:s28], [sflag:$0x2] =	stream.indirect_vreg.gather [hbm4b:s5+s3], $0x80, v3, vm0, $0xb8;
	[tilespmem:$0x1FA00] =	vst v63  }
0x264: {  	s19 =	simm.s32 $0x13200  }
0x265: {  	[tilespmem:s19], [sflag:$0x2] =	stream.indirect_vreg.gather [hbm4b:s6+s3], $0x80, v3, vm0, $0xb8;
	[tilespmem:$0x1FA00] =	vst v63  }
0x266: {  	v3 =	vld.msk [tilespmem:$0x1B8], $0xff;
	_ =	sdelay $0x4  }
0x267: {  	v58 =	vshrl.u32 v3, $0x3  }
0x268: {  	v4 =	vmul.u32 $0x30, v58  }
0x269: {  	v3 =	vand.u32 $0x7, v3  }
0x26a: {  	v3 =	vor.u32 v3, v4  }
0x26b: {  	v3 =	vperm.xlane v3, v0;
	_ =	sdelay $0x1  }
0x26c: {  	v3 =	vadd.s32 v1, v3;
	_ =	sdelay $0x4  }
0x26d: {  	[tilespmem:s29], [sflag:$0x2] =	stream.indirect_vreg.gather [hbm4b:s1+s3], $0x80, v3, vm0, $0xb8;
	[tilespmem:$0x1FA00] =	vst v63  }
0x26e: {  	_ = 	snop  }
0x26f: {  	[tilespmem:s30], [sflag:$0x2] =	stream.indirect_vreg.gather [hbm4b:s5+s3], $0x80, v3, vm0, $0xb8;
	[tilespmem:$0x1FA00] =	vst v63  }
0x270: {  	_ = 	snop  }
0x271: {  	[tilespmem:s31], [sflag:$0x2] =	stream.indirect_vreg.gather [hbm4b:s6+s3], $0x80, v3, vm0, $0xb8;
	[tilespmem:$0x1FA00] =	vst v63  }
0x272: {  	_ =	swait.ge [sflag:s13], $0xA800  }
0x273: {  	[sflag:s13] =	ssyncset.done $0x0  }
0x274: {  	s20 =	rddreg [dreg:$0xa];
	[sflag:s13] =	ssyncadd.s32 $0xFFFF5800  }
0x275: {  	[hbm4b:s20+s3] =	stream.linear.scatter [tilespmem:s16], [sflag:$0x6], $0xA800, $0x38;
	[tilespmem:$0x1FA00] =	vst v63  }
0x276: {  	_ =	swait.ge [sflag:s14], $0xA800  }
0x277: {  	[sflag:s14] =	ssyncset.done $0x0  }
0x278: {  	[sflag:s14] =	ssyncadd.s32 $0xFFFF5800  }
0x279: {  	v3 =	vld [tilespmem:$0x1C0];
	_ =	sdelay $0x4  }
0x27a: {  	v59 =	vshrl.u32 v3, $0x3  }
0x27b: {  	v4 =	vmul.u32 $0x30, v59  }
0x27c: {  	v3 =	vand.u32 $0x7, v3  }
0x27d: {  	v3 =	vor.u32 v3, v4  }
0x27e: {  	v4 =	vperm.xlane v3, v0;
	_ =	sdelay $0x1  }
0x27f: {  	v4 =	vadd.s32 v1, v4;
	_ =	sdelay $0x3  }
0x280: {  	v3 =	vperm.xlane v3, v2  }
0x281: {  	[tilespmem:s16], [sflag:$0x3] =	stream.indirect_vreg.gather [hbm4b:s1+s3], $0x80, v4, vm0, $0xb8;
	[tilespmem:$0x1FA00] =	vst v63  }
0x282: {  	s21 =	simm.s32 $0x15A00;
	v3 =	vadd.s32 v1, v3  }
0x283: {  	[tilespmem:s21], [sflag:$0x3] =	stream.indirect_vreg.gather [hbm4b:s5+s3], $0x80, v4, vm0, $0xb8;
	[tilespmem:$0x1FA00] =	vst v63  }
0x284: {  	s22 =	simm.s32 $0x16200  }
0x285: {  	[tilespmem:s22], [sflag:$0x3] =	stream.indirect_vreg.gather [hbm4b:s6+s3], $0x80, v4, vm0, $0xb8;
	[tilespmem:$0x1FA00] =	vst v63  }
0x286: {  	s23 =	simm.s32 $0x16A00  }
0x287: {  	[tilespmem:s23], [sflag:$0x3] =	stream.indirect_vreg.gather [hbm4b:s1+s3], $0x80, v3, vm0, $0xb8;
	[tilespmem:$0x1FA00] =	vst v63  }
0x288: {  	s24 =	simm.s32 $0x17200  }
0x289: {  	[tilespmem:s24], [sflag:$0x3] =	stream.indirect_vreg.gather [hbm4b:s5+s3], $0x80, v3, vm0, $0xb8;
	[tilespmem:$0x1FA00] =	vst v63  }
0x28a: {  	s25 =	simm.s32 $0x17A00  }
0x28b: {  	[tilespmem:s25], [sflag:$0x3] =	stream.indirect_vreg.gather [hbm4b:s6+s3], $0x80, v3, vm0, $0xb8;
	[tilespmem:$0x1FA00] =	vst v63  }
0x28c: {  	v3 =	vld [tilespmem:$0x1D0];
	_ =	sdelay $0x4  }
0x28d: {  	v60 =	vshrl.u32 v3, $0x3  }
0x28e: {  	v4 =	vmul.u32 $0x30, v60  }
0x28f: {  	v3 =	vand.u32 $0x7, v3  }
0x290: {  	v3 =	vor.u32 v3, v4  }
0x291: {  	v4 =	vperm.xlane v3, v0;
	_ =	sdelay $0x1  }
0x292: {  	v4 =	vadd.s32 v1, v4;
	_ =	sdelay $0x3  }
0x293: {  	s26 =	simm.s32 $0x18200;
	v3 =	vperm.xlane v3, v2  }
0x294: {  	[tilespmem:s26], [sflag:$0x3] =	stream.indirect_vreg.gather [hbm4b:s1+s3], $0x80, v4, vm0, $0xb8;
	[tilespmem:$0x1FA00] =	vst v63  }
0x295: {  	s28 =	simm.s32 $0x18A00;
	v3 =	vadd.s32 v1, v3  }
0x296: {  	[tilespmem:s28], [sflag:$0x3] =	stream.indirect_vreg.gather [hbm4b:s5+s3], $0x80, v4, vm0, $0xb8;
	[tilespmem:$0x1FA00] =	vst v63  }
0x297: {  	s29 =	simm.s32 $0x19200  }
0x298: {  	[tilespmem:s29], [sflag:$0x3] =	stream.indirect_vreg.gather [hbm4b:s6+s3], $0x80, v4, vm0, $0xb8;
	[tilespmem:$0x1FA00] =	vst v63  }
0x299: {  	s30 =	simm.s32 $0x19A00  }
0x29a: {  	[tilespmem:s30], [sflag:$0x3] =	stream.indirect_vreg.gather [hbm4b:s1+s3], $0x80, v3, vm0, $0xb8;
	[tilespmem:$0x1FA00] =	vst v63  }
0x29b: {  	s31 =	simm.s32 $0x1A200  }
0x29c: {  	[tilespmem:s31], [sflag:$0x3] =	stream.indirect_vreg.gather [hbm4b:s5+s3], $0x80, v3, vm0, $0xb8;
	[tilespmem:$0x1FA00] =	vst v63  }
0x29d: {  	s15 =	simm.s32 $0x1AA00  }
0x29e: {  	[tilespmem:s15], [sflag:$0x3] =	stream.indirect_vreg.gather [hbm4b:s6+s3], $0x80, v3, vm0, $0xb8;
	[tilespmem:$0x1FA00] =	vst v63  }
0x29f: {  	v3 =	vld [tilespmem:$0x1E0];
	_ =	sdelay $0x4  }
0x2a0: {  	v61 =	vshrl.u32 v3, $0x3  }
0x2a1: {  	v4 =	vmul.u32 $0x30, v61  }
0x2a2: {  	v3 =	vand.u32 $0x7, v3  }
0x2a3: {  	v3 =	vor.u32 v3, v4  }
0x2a4: {  	v4 =	vperm.xlane v3, v0;
	_ =	sdelay $0x1  }
0x2a5: {  	v4 =	vadd.s32 v1, v4;
	_ =	sdelay $0x3  }
0x2a6: {  	s17 =	simm.s32 $0x1B200;
	v3 =	vperm.xlane v3, v2  }
0x2a7: {  	[tilespmem:s17], [sflag:$0x3] =	stream.indirect_vreg.gather [hbm4b:s1+s3], $0x80, v4, vm0, $0xb8;
	[tilespmem:$0x1FA00] =	vst v63  }
0x2a8: {  	s18 =	simm.s32 $0x1BA00;
	v3 =	vadd.s32 v1, v3  }
0x2a9: {  	[tilespmem:s18], [sflag:$0x3] =	stream.indirect_vreg.gather [hbm4b:s5+s3], $0x80, v4, vm0, $0xb8;
	[tilespmem:$0x1FA00] =	vst v63  }
0x2aa: {  	s19 =	simm.s32 $0x1C200  }
0x2ab: {  	[tilespmem:s19], [sflag:$0x3] =	stream.indirect_vreg.gather [hbm4b:s6+s3], $0x80, v4, vm0, $0xb8;
	[tilespmem:$0x1FA00] =	vst v63  }
0x2ac: {  	s20 =	simm.s32 $0x1CA00  }
0x2ad: {  	[tilespmem:s20], [sflag:$0x3] =	stream.indirect_vreg.gather [hbm4b:s1+s3], $0x80, v3, vm0, $0xb8;
	[tilespmem:$0x1FA00] =	vst v63  }
0x2ae: {  	s21 =	simm.s32 $0x1D200  }
0x2af: {  	[tilespmem:s21], [sflag:$0x3] =	stream.indirect_vreg.gather [hbm4b:s5+s3], $0x80, v3, vm0, $0xb8;
	[tilespmem:$0x1FA00] =	vst v63  }
0x2b0: {  	s22 =	simm.s32 $0x1DA00  }
0x2b1: {  	[tilespmem:s22], [sflag:$0x3] =	stream.indirect_vreg.gather [hbm4b:s6+s3], $0x80, v3, vm0, $0xb8;
	[tilespmem:$0x1FA00] =	vst v63  }
0x2b2: {  	v3 =	vld.msk [tilespmem:$0x1F0], $0xff;
	_ =	sdelay $0x4  }
0x2b3: {  	v62 =	vshrl.u32 v3, $0x3  }
0x2b4: {  	v4 =	vmul.u32 $0x30, v62  }
0x2b5: {  	v3 =	vand.u32 $0x7, v3  }
0x2b6: {  	v3 =	vor.u32 v3, v4  }
0x2b7: {  	v3 =	vperm.xlane v3, v0;
	_ =	sdelay $0x1  }
0x2b8: {  	v3 =	vadd.s32 v1, v3;
	_ =	sdelay $0x3  }
0x2b9: {  	s23 =	simm.s32 $0x1E200  }
0x2ba: {  	[tilespmem:s23], [sflag:$0x3] =	stream.indirect_vreg.gather [hbm4b:s1+s3], $0x80, v3, vm0, $0xb8;
	[tilespmem:$0x1FA00] =	vst v63  }
0x2bb: {  	s24 =	simm.s32 $0x1EA00  }
0x2bc: {  	[tilespmem:s24], [sflag:$0x3] =	stream.indirect_vreg.gather [hbm4b:s5+s3], $0x80, v3, vm0, $0xb8;
	[tilespmem:$0x1FA00] =	vst v63  }
0x2bd: {  	s25 =	simm.s32 $0x1F200  }
0x2be: {  	[tilespmem:s25], [sflag:$0x3] =	stream.indirect_vreg.gather [hbm4b:s6+s3], $0x80, v3, vm0, $0xb8;
	[tilespmem:$0x1FA00] =	vst v63  }
0x2bf: {  	_ =	swait.ge [sflag:s0], $0xA800  }
0x2c0: {  	[sflag:s0] =	ssyncset.done $0x0  }
0x2c1: {  	s26 =	rddreg [dreg:$0xb];
	[sflag:s0] =	ssyncadd.s32 $0xFFFF5800  }
0x2c2: {  	[hbm4b:s26+s3] =	stream.linear.scatter [tilespmem:s4], [sflag:$0x4], $0xA800, $0x38;
	[tilespmem:$0x1FA00] =	vst v63  }
0x2c3: {  	_ =	swait.ge [sflag:s2], $0xA800  }
0x2c4: {  	[sflag:s2] =	ssyncset.done $0x0  }
0x2c5: {  	[sflag:s2] =	ssyncadd.s32 $0xFFFF5800  }
0x2c6: {  	v3 =	vld.msk [tilespmem:$0x1F8], $0xff;
	_ =	sdelay $0x4  }
0x2c7: {  	v63 =	vshrl.u32 v3, $0x3  }
0x2c8: {  	v4 =	vmul.u32 $0x30, v63  }
0x2c9: {  	v3 =	vand.u32 $0x7, v3  }
0x2ca: {  	v3 =	vor.u32 v3, v4  }
0x2cb: {  	v3 =	vperm.xlane v3, v0;
	_ =	sdelay $0x1  }
0x2cc: {  	v3 =	vadd.s32 v1, v3;
	_ =	sdelay $0x4  }
0x2cd: {  	[tilespmem:s4], [sflag:$0x1] =	stream.indirect_vreg.gather [hbm4b:s1+s3], $0x80, v3, vm0, $0xb8;
	[tilespmem:$0x1FA00] =	vst v63  }
0x2ce: {  	s9 =	simm.s32 $0xA00  }
0x2cf: {  	[tilespmem:s9], [sflag:$0x1] =	stream.indirect_vreg.gather [hbm4b:s5+s3], $0x80, v3, vm0, $0xb8;
	[tilespmem:$0x1FA00] =	vst v63  }
0x2d0: {  	s28 =	simm.s32 $0x1200  }
0x2d1: {  	[tilespmem:s28], [sflag:$0x1] =	stream.indirect_vreg.gather [hbm4b:s6+s3], $0x80, v3, vm0, $0xb8;
	[tilespmem:$0x1FA00] =	vst v63  }
0x2d2: {  	_ =	swait.ge [sflag:s10], $0xA800  }
0x2d3: {  	[sflag:s10] =	ssyncset.done $0x0  }
0x2d4: {  	s8 =	simm.s32 $0xAA00;
	s29 =	rddreg [dreg:$0xc];
	[sflag:s10] =	ssyncadd.s32 $0xFFFF5800  }
0x2d5: {  	[hbm4b:s29+s3] =	stream.linear.scatter [tilespmem:s8], [sflag:$0x5], $0xA800, $0x38;
	[tilespmem:$0x1FA00] =	vst v63  }
0x2d6: {  	_ =	swait.ge [sflag:s13], $0xA800  }
0x2d7: {  	[sflag:s13] =	ssyncset.done $0x0  }
0x2d8: {  	s30 =	rddreg [dreg:$0xd];
	[sflag:s13] =	ssyncadd.s32 $0xFFFF5800  }
0x2d9: {  	[hbm4b:s30+s3] =	stream.linear.scatter [tilespmem:s16], [sflag:$0x6], $0xA800, $0x38;
	[tilespmem:$0x1FA00] =	vst v63  }
0x2da: {  	_ =	swait.ge [sflag:s0], $0x1800  }
0x2db: {  	[sflag:s0] =	ssyncset.done $0x0  }
0x2dc: {  	s31 =	rddreg [dreg:$0xe];
	[sflag:s0] =	ssyncadd.s32 $0xFFFFE800  }
0x2dd: {  	[hbm4b:s31+s3] =	stream.linear.scatter [tilespmem:s4], [sflag:$0x4], $0x1800, $0x38;
	[tilespmem:$0x1FA00] =	vst v63  }
0x2de: {  	_ =	swait.ge [sflag:s2], $0x1800  }
0x2df: {  	[sflag:s2] =	ssyncset.done $0x0  }
0x2e0: {  	[sflag:s2] =	ssyncadd.s32 $0xFFFFE800  }
0x2e1: {  	p0 =	sne.s32 s7, $0x1;
	_ =	swait.ge [sflag:s14], $0xA800  }
.Ltmp0:
0x2e2: {  	[sflag:s14] =	ssyncset.done $0x0;
	(pc) =	sbr.rel @p0 .LBB2_1-.Ltmp0, $4  }
0x2e3: {  	[sflag:s14] =	ssyncadd.s32 $0xFFFF5800  }
0x2e4: {  	_ =	swait.ge [sflag:s12], $0xA800  }
0x2e5: {  	[sflag:s12] =	ssyncset.done $0x0  }
0x2e6: {  	s7 =	sadd.s32 $0xFFFFFFFF, s7;
	[sflag:s12] =	ssyncadd.s32 $0xFFFF5800  }
0x2e7: {  	_ =	sfence.sel $0x180000  }
0x2e8: {  	[bflag:$0x0] =	sbarrier.arrive $0xFFFF  }
0x2e9: {  	_ =	strace $0x90000047  }
0x2ea: {  	s0 =	stileid.u32;
	[bflag:$0x2] =	sbarrier.arrive $0xFFFF  }
0x2eb: {  	p0 =	sne.s32 s0, $0x0;
	s0 =	rddreg [dreg:$0x3]  }
0x2ec: {  	s0 =	sadd.s32 @!p0 $0x100000, s0  }
0x2ed: {  	[sflag:s0] =	ssyncadd.tile.s32 @!p0 $0x1;
	_ =	shalt  }
.Lfunc_end2:
_tile_overlayer_lowered:
.L_overlay_start_2:
0x2ee: {  	(tag) =	ssettag $0x2  }
0x2ef: {  	s0 =	rddreg [dreg:$0x0];
	s2 =	stileid.u32  }
0x2f0: {  	s1 =	rddreg [dreg:$0x1];
	p0 =	sne.s32 s2, $0x0  }
0x2f1: {  	s3 =	rddreg [dreg:$0x2];
	[bflag:$0x3] =	sbarrier.arrive $0xFFFF;
	s2 =	simm.s32 @!p0 $0x1C07  }
0x2f2: {  	[timem:s3], [sflag:s2] =	dma.local @!p0 [hbm:s0], s1  }
0x2f3: {  	s0 =	simm.s32 @!p0 $0x7  }
0x2f4: {  	_ =	swait.ge @!p0 [sflag:s0], s1  }
0x2f5: {  	s1 =	ssub.s32 @!p0 $0x0, s1;
	[sflag:s0] =	ssyncset.done @!p0 $0x0  }
0x2f6: {  	[sflag:s0] =	ssyncadd.s32 @!p0 s1  }
0x2f7: {  	[bflag:$0x3] =	sbarrier.arrive $0xFFFF  }
0x2f8: {  	_ =	shalt  }

</sc_bundles>
